<compile_context>
chip_gen: v7x
topology: tpu7x:2x2x1
jax: 0.10.2.dev20260603
libtpu: 0.0.44.dev20260713+nightly
codegen_flags: <defaults>
</compile_context>

<pallas_src>
import functools

import jax
import jax.numpy as jnp
from jax import lax
from jax.experimental import pallas as pl
from jax.experimental.pallas import tpu as pltpu
from jax.experimental.pallas import tpu_sc as plsc

_V = 50265
_D = 1024
_E = 8
_K = 5
_DFF = 1024
_S = 2048

_VB = 1024
_NV = (_V + _VB - 1) // _VB

_SC_CORES = 2
_SC_SUBCORES = 16
_NW = _SC_CORES * _SC_SUBCORES
_BPW = _S // _NW


def _sc_gather(idx, table):
    mesh = plsc.VectorSubcoreMesh(
        core_axis_name="c", subcore_axis_name="s",
        num_cores=_SC_CORES, num_subcores=_SC_SUBCORES)

    @functools.partial(
        pl.kernel,
        out_type=jax.ShapeDtypeStruct((_S, _D), jnp.float32),
        mesh=mesh,
        scratch_types=[
            pltpu.VMEM((_BPW,), jnp.int32),
            pltpu.VMEM((_BPW, _D), jnp.float32),
            pltpu.SemaphoreType.DMA,
        ],
    )
    def gk(idx_hbm, table_hbm, out_hbm, idx_v, rows_v, sem):
        wid = lax.axis_index("s") * _SC_CORES + lax.axis_index("c")
        base = wid * _BPW
        pltpu.sync_copy(idx_hbm.at[pl.ds(base, _BPW)], idx_v)
        pltpu.async_copy(table_hbm.at[idx_v], rows_v, sem).wait()
        pltpu.sync_copy(rows_v, out_hbm.at[pl.ds(base, _BPW)])

    return gk(idx, table)


def _embed_body(rows_ref, pos_ref, type_ref, g_ref, b_ref, o_ref):
    h = rows_ref[...] + pos_ref[...] + type_ref[...]
    m = jnp.mean(h, axis=-1, keepdims=True)
    v = jnp.mean((h - m) ** 2, axis=-1, keepdims=True)
    o_ref[...] = ((h - m) / jnp.sqrt(v + 1e-5) * g_ref[...]
                  + b_ref[...]).astype(jnp.bfloat16)


def _embed_call(rows, pos, type_row, g, b):
    tb = 256
    return pl.pallas_call(
        _embed_body,
        grid=(_S // tb,),
        in_specs=[
            pl.BlockSpec((tb, _D), lambda t: (t, 0)),
            pl.BlockSpec((tb, _D), lambda t: (t, 0)),
            pl.BlockSpec((1, _D), lambda t: (0, 0)),
            pl.BlockSpec((1, _D), lambda t: (0, 0)),
            pl.BlockSpec((1, _D), lambda t: (0, 0)),
        ],
        out_specs=pl.BlockSpec((tb, _D), lambda t: (t, 0)),
        out_shape=jax.ShapeDtypeStruct((_S, _D), jnp.bfloat16),
    )(rows, pos, type_row, g, b)


def _moe_body(x_ref, gate_ref, w1_ref, b1_ref, w2_ref, b2_ref, o_ref,
              wsel_s, acc_s):
    e = pl.program_id(0)
    bf = jnp.bfloat16

    @pl.when(e == 0)
    def _():
        lg = jnp.dot(x_ref[...], gate_ref[...].astype(bf),
                     preferred_element_type=jnp.float32)
        col = lax.broadcasted_iota(jnp.int32, (_S, _E), 1)
        rank = jnp.zeros((_S, _E), jnp.int32)
        for j in range(_E):
            lj = lg[:, j:j + 1]
            beats = (lj > lg) | ((lj == lg) & (j < col))
            rank = rank + beats.astype(jnp.int32)
        sel = rank < _K
        m = jnp.max(lg, axis=-1, keepdims=True)
        ex = jnp.where(sel, jnp.exp(lg - m), 0.0)
        wsel_s[...] = ex / jnp.sum(ex, axis=-1, keepdims=True)
        acc_s[...] = jnp.zeros_like(acc_s)

    h = jnp.dot(x_ref[...], w1_ref[0].astype(bf),
                preferred_element_type=jnp.float32)
    h = jax.nn.gelu(h + b1_ref[0])
    y = jnp.dot(h.astype(bf), w2_ref[0].astype(bf),
                preferred_element_type=jnp.float32) + b2_ref[0]
    onehot = (lax.broadcasted_iota(jnp.int32, (_E, 1), 0) == e
              ).astype(jnp.float32)
    wcol = jnp.dot(wsel_s[...], onehot, preferred_element_type=jnp.float32)
    acc_s[...] = acc_s[...] + (wcol.astype(bf).astype(jnp.float32)
                               * y.astype(bf).astype(jnp.float32))

    @pl.when(e == _E - 1)
    def _():
        o_ref[...] = acc_s[...].astype(bf)


def _moe_call(x, gate, w1, b1, w2, b2):
    return pl.pallas_call(
        _moe_body,
        grid=(_E,),
        in_specs=[
            pl.BlockSpec((_S, _D), lambda e: (0, 0)),
            pl.BlockSpec((_D, _E), lambda e: (0, 0)),
            pl.BlockSpec((1, _D, _DFF), lambda e: (e, 0, 0)),
            pl.BlockSpec((1, 1, _DFF), lambda e: (e, 0, 0)),
            pl.BlockSpec((1, _DFF, _D), lambda e: (e, 0, 0)),
            pl.BlockSpec((1, 1, _D), lambda e: (e, 0, 0)),
        ],
        out_specs=pl.BlockSpec((_S, _D), lambda e: (0, 0)),
        out_shape=jax.ShapeDtypeStruct((_S, _D), jnp.bfloat16),
        scratch_shapes=[
            pltpu.VMEM((_S, _E), jnp.float32),
            pltpu.VMEM((_S, _D), jnp.float32),
        ],
        compiler_params=pltpu.CompilerParams(
            dimension_semantics=("arbitrary",),
            vmem_limit_bytes=63 * 1024 * 1024),
    )(x, gate, w1, b1.reshape(_E, 1, _DFF), w2, b2.reshape(_E, 1, _D))


def _lm_body(x_ref, w_ref, b_ref, lab_ref, scores_ref, loss_ref,
             m_s, s_s, p_s):
    v = pl.program_id(0)
    sc = jnp.dot(x_ref[...], w_ref[...].astype(jnp.bfloat16),
                 preferred_element_type=jnp.float32) + b_ref[...]
    scores_ref[...] = sc
    lidx = lab_ref[...] - v * _VB
    ci = lax.broadcasted_iota(jnp.int32, (_S, _VB), 1)
    pick = jnp.sum(jnp.where(ci == lidx, sc, 0.0), axis=-1, keepdims=True)

    def _update(scm):
        bm = jnp.max(scm, axis=-1, keepdims=True)

        @pl.when(v == 0)
        def _():
            m_s[...] = bm
            s_s[...] = jnp.sum(jnp.exp(scm - bm), axis=-1, keepdims=True)
            p_s[...] = pick

        @pl.when(v > 0)
        def _():
            mnew = jnp.maximum(m_s[...], bm)
            s_s[...] = (s_s[...] * jnp.exp(m_s[...] - mnew)
                        + jnp.sum(jnp.exp(scm - mnew), axis=-1,
                                  keepdims=True))
            m_s[...] = mnew
            p_s[...] = p_s[...] + pick

    @pl.when(v < _NV - 1)
    def _():
        _update(sc)

    @pl.when(v == _NV - 1)
    def _():
        _update(jnp.where(ci < _V - v * _VB, sc, -1e30))
        nll = m_s[...] + jnp.log(s_s[...]) - p_s[...]
        loss_ref[...] = jnp.sum(nll, axis=0, keepdims=True) / _S


def _lm_call(x, w, b, lab):
    return pl.pallas_call(
        _lm_body,
        grid=(_NV,),
        in_specs=[
            pl.BlockSpec((_S, _D), lambda v: (0, 0)),
            pl.BlockSpec((_D, _VB), lambda v: (0, v)),
            pl.BlockSpec((1, _VB), lambda v: (0, v)),
            pl.BlockSpec((_S, 1), lambda v: (0, 0)),
        ],
        out_specs=[
            pl.BlockSpec((_S, _VB), lambda v: (0, v)),
            pl.BlockSpec((1, 1), lambda v: (0, 0)),
        ],
        out_shape=[
            jax.ShapeDtypeStruct((_S, _V), jnp.float32),
            jax.ShapeDtypeStruct((1, 1), jnp.float32),
        ],
        scratch_shapes=[
            pltpu.VMEM((_S, 1), jnp.float32),
            pltpu.VMEM((_S, 1), jnp.float32),
            pltpu.VMEM((_S, 1), jnp.float32),
        ],
        compiler_params=pltpu.CompilerParams(
            dimension_semantics=("arbitrary",),
            vmem_limit_bytes=63 * 1024 * 1024),
    )(x, w, b, lab)


def kernel(input_ids, labels, word_emb, pos_emb, type_emb, emb_ln_g,
           emb_ln_b, gate0, w1_0, b1_0, w2_0, b2_0, gate1, w1_1, b1_1,
           w2_1, b2_1, lm_w, lm_b):
    idx = input_ids.reshape(_S).astype(jnp.int32)
    rows = _sc_gather(idx, word_emb)
    pos = lax.slice(pos_emb, (2, 0), (2 + _S, _D))
    x = _embed_call(rows, pos, type_emb,
                    emb_ln_g.reshape(1, _D), emb_ln_b.reshape(1, _D))
    x = _moe_call(x, gate0, w1_0, b1_0, w2_0, b2_0)
    x = _moe_call(x, gate1, w1_1, b1_1, w2_1, b2_1)
    lab = labels.reshape(_S, 1).astype(jnp.int32)
    scores, loss = _lm_call(x, lm_w, lm_b.reshape(1, _V), lab)
    return (loss[0, 0], scores.reshape(1, _S, _V))

# --- scband reference (transcript-rebuilt; emitter-appended) ---
"""Pipeline reference for scband-trainer-model-16664473108826 (READ-ONLY COPY).

The authoritative reference and input builder live on the scoring server;
editing this copy changes nothing except your own understanding.
"""

import jax, jax.numpy as jnp
import numpy as np

V = 50265
D = 1024
E = 8
K = 5
DFF = 1024
B = 1
S = 2048
NBLK = 2


def setup_inputs(seed: int = 0) -> dict:
    key = jax.random.key(seed)
    ks = jax.random.split(key, 24)
    inp = {}
    inp['input_ids'] = jax.random.randint(ks[0], (B, S), 0, V)
    inp['labels'] = jax.random.randint(ks[1], (B, S), 0, V)
    inp['word_emb'] = jax.random.normal(ks[2], (V, D), dtype=jnp.float32) * 0.02
    inp['pos_emb'] = jax.random.normal(ks[3], (S + 2, D), dtype=jnp.float32) * 0.02
    inp['type_emb'] = jax.random.normal(ks[4], (1, D), dtype=jnp.float32) * 0.02
    inp['emb_ln_g'] = jnp.ones((D,), dtype=jnp.float32)
    inp['emb_ln_b'] = jnp.zeros((D,), dtype=jnp.float32)
    for i in range(NBLK):
        base = 5 + i * 5
        inp['gate%d' % i] = jax.random.normal(ks[base], (D, E), dtype=jnp.float32) * 0.02
        inp['w1_%d' % i] = jax.random.normal(ks[base + 1], (E, D, DFF), dtype=jnp.float32) * 0.02
        inp['b1_%d' % i] = jnp.zeros((E, DFF), dtype=jnp.float32)
        inp['w2_%d' % i] = jax.random.normal(ks[base + 2], (E, DFF, D), dtype=jnp.float32) * 0.02
        inp['b2_%d' % i] = jnp.zeros((E, D), dtype=jnp.float32)
    inp['lm_w'] = jax.random.normal(ks[20], (D, V), dtype=jnp.float32) * 0.02
    inp['lm_b'] = jnp.zeros((V,), dtype=jnp.float32)
    return inp


def _layer_norm(x, g, b):
    m = x.mean(-1, keepdims=True)
    v = ((x - m) ** 2).mean(-1, keepdims=True)
    return (x - m) / jnp.sqrt(v + 1e-5) * g + b


def _moe_block(x, gate, w1, b1, w2, b2):
    # RemoteMixtureOfExperts: gate over expert grid, pick k_best=5, softmax-weighted combine
    T = x.shape[0]
    logits = x @ gate  # [T, E]
    vals, idx = jax.lax.top_k(logits, K)  # [T, K]
    w = jax.nn.softmax(vals, axis=-1)  # [T, K]
    wmask = jnp.zeros((T, E), dtype=x.dtype).at[jnp.arange(T)[:, None], idx].set(w)
    h = jax.nn.gelu(jnp.einsum('td,edf->tef', x, w1) + b1)
    y = jnp.einsum('tef,efd->ted', h, w2) + b2
    return jnp.einsum('ted,te->td', y, wmask)


def reference(input_ids, labels, word_emb, pos_emb, type_emb, emb_ln_g, emb_ln_b,
              gate0, w1_0, b1_0, w2_0, b2_0,
              gate1, w1_1, b1_1, w2_1, b2_1,
              lm_w, lm_b):
    # RobertaEmbeddings: word + position (offset by padding_idx+1=2) + token_type, then LayerNorm
    pos_ids = jnp.arange(S) + 2
    h = word_emb[input_ids] + pos_emb[pos_ids][None, :, :] + type_emb[0][None, None, :]
    h = _layer_norm(h, emb_ln_g, emb_ln_b)
    x = h.reshape(B * S, D)
    x = _moe_block(x, gate0, w1_0, b1_0, w2_0, b2_0)
    x = _moe_block(x, gate1, w1_1, b1_1, w2_1, b2_1)
    out = x.reshape(B, S, D)
    prediction_scores = out @ lm_w + lm_b  # [B, S, V]
    flat = prediction_scores.reshape(-1, V)
    lab = labels.reshape(-1)
    lse = jax.nn.logsumexp(flat, axis=-1)
    nll = lse - jnp.take_along_axis(flat, lab[:, None], axis=1)[:, 0]
    masked_lm_loss = nll.mean()
    return (masked_lm_loss, prediction_scores)

if __name__ == "__main__":
    import jax
    _d = setup_inputs()
    print(jax.jit(kernel)(*tuple(_d.values())))

</pallas_src>

<mosaic_0001>
#map = affine_map<(d0, d1) -> (0)>
#map1 = affine_map<(d0, d1) -> (0, 0)>
module attributes {stable_mosaic.version = 14 : i64} {
  func.func @gk(%arg0: i32, %arg1: i32, %arg2: memref<2048xi32, #tpu.memory_space<hbm>>, %arg3: memref<50265x1024xf32, #tpu.memory_space<hbm>>, %arg4: memref<2048x1024xf32, #tpu.memory_space<hbm>>, %arg5: memref<64xi32, #tpu.memory_space<vmem>>, %arg6: memref<64x1024xf32, #tpu.memory_space<vmem>>, %arg7: memref<!tpu.dma_semaphore, #tpu.memory_space<semaphore_mem>>) attributes {dimension_semantics = [#tpu.dimension_semantics<core_parallel>, #tpu.dimension_semantics<subcore_parallel>], iteration_bounds = array<i64: 2, 16>, scalar_prefetch = 0 : i64, scratch_operands = 3 : i64, tpu.core_type = #tpu.core_type<sc_vector_subcore>, window_params = [{transform_indices = #map}, {transform_indices = #map1}, {transform_indices = #map1}]} {
    %mul3A = arith.constant 2 : i32
    %mul3A_0 = arith.muli %arg1, %mul3A : i32
    %add3A = arith.addi %mul3A_0, %arg0 : i32
    %mul3A_1 = arith.constant 64 : i32
    %mul3A_2 = arith.muli %add3A, %mul3A_1 : i32
    "tpu.region"() ({
      %run_scoped3A = tpu.sem_alloc : memref<!tpu.dma_semaphore, #tpu.memory_space<semaphore_mem>>
      %dma_start3A_7 = tpu.memref_slice %arg2[%mul3A_2] : memref<2048xi32, #tpu.memory_space<hbm>> -> memref<64xi32, #tpu.memory_space<hbm>>
      %dma_start3A_8 = tpu.memref_slice %arg2[%mul3A_2] : memref<2048xi32, #tpu.memory_space<hbm>> -> memref<64xi32, #tpu.memory_space<hbm>>
      tpu.enqueue_dma source(%dma_start3A_8 : memref<64xi32, #tpu.memory_space<hbm>>) target(%arg5 : memref<64xi32, #tpu.memory_space<vmem>>) target_semaphore(%run_scoped3A : memref<!tpu.dma_semaphore, #tpu.memory_space<semaphore_mem>>)
      %dma_wait3A_9 = tpu.memref_slice %arg2[%mul3A_2] : memref<2048xi32, #tpu.memory_space<hbm>> -> memref<64xi32, #tpu.memory_space<hbm>>
      %dma_wait3A_10 = tpu.memref_slice %arg2[%mul3A_2] : memref<2048xi32, #tpu.memory_space<hbm>> -> memref<64xi32, #tpu.memory_space<hbm>>
      tpu.wait_dma2 semaphore(%run_scoped3A : memref<!tpu.dma_semaphore, #tpu.memory_space<semaphore_mem>>) src(%dma_wait3A_10 : memref<64xi32, #tpu.memory_space<hbm>>) dst(%arg5 : memref<64xi32, #tpu.memory_space<vmem>>)
      tpu.yield
    }) : () -> ()
    %dma_start3A = arith.constant 0 : i32
    %dma_start3A_3 = arith.constant 0 : i32
    %dma_start3A_4 = tpu.memref_slice %arg3[%dma_start3A, %dma_start3A_3] : memref<50265x1024xf32, #tpu.memory_space<hbm>> -> memref<50265x1024xf32, #tpu.memory_space<hbm>>
    tpu.enqueue_indirect_dma source(%dma_start3A_4 : memref<50265x1024xf32, #tpu.memory_space<hbm>>) target(%arg6 : memref<64x1024xf32, #tpu.memory_space<vmem>>) offsets(%arg5 : memref<64xi32, #tpu.memory_space<vmem>>) semaphore(%arg7 : memref<!tpu.dma_semaphore, #tpu.memory_space<semaphore_mem>>)
    %dma_wait3A = arith.constant 0 : i32
    %dma_wait3A_5 = arith.constant 0 : i32
    %dma_wait3A_6 = tpu.memref_slice %arg3[%dma_wait3A, %dma_wait3A_5] : memref<50265x1024xf32, #tpu.memory_space<hbm>> -> memref<50265x1024xf32, #tpu.memory_space<hbm>>
    tpu.wait_indirect_dma semaphore(%arg7 : memref<!tpu.dma_semaphore, #tpu.memory_space<semaphore_mem>>) src(%dma_wait3A_6 : memref<50265x1024xf32, #tpu.memory_space<hbm>>) dst(%arg6 : memref<64x1024xf32, #tpu.memory_space<vmem>>)
    "tpu.region"() ({
      %run_scoped3A = tpu.sem_alloc : memref<!tpu.dma_semaphore, #tpu.memory_space<semaphore_mem>>
      %dma_start3A_7 = arith.constant 0 : i32
      %dma_start3A_8 = tpu.memref_slice %arg4[%mul3A_2, %dma_start3A_7] : memref<2048x1024xf32, #tpu.memory_space<hbm>> -> memref<64x1024xf32, #tpu.memory_space<hbm>>
      %dma_start3A_9 = arith.constant 0 : i32
      %dma_start3A_10 = tpu.memref_slice %arg4[%mul3A_2, %dma_start3A_9] : memref<2048x1024xf32, #tpu.memory_space<hbm>> -> memref<64x1024xf32, #tpu.memory_space<hbm>>
      tpu.enqueue_dma source(%arg6 : memref<64x1024xf32, #tpu.memory_space<vmem>>) target(%dma_start3A_10 : memref<64x1024xf32, #tpu.memory_space<hbm>>) target_semaphore(%run_scoped3A : memref<!tpu.dma_semaphore, #tpu.memory_space<semaphore_mem>>)
      %dma_wait3A_11 = arith.constant 0 : i32
      %dma_wait3A_12 = tpu.memref_slice %arg4[%mul3A_2, %dma_wait3A_11] : memref<2048x1024xf32, #tpu.memory_space<hbm>> -> memref<64x1024xf32, #tpu.memory_space<hbm>>
      %dma_wait3A_13 = arith.constant 0 : i32
      %dma_wait3A_14 = tpu.memref_slice %arg4[%mul3A_2, %dma_wait3A_13] : memref<2048x1024xf32, #tpu.memory_space<hbm>> -> memref<64x1024xf32, #tpu.memory_space<hbm>>
      tpu.wait_dma2 semaphore(%run_scoped3A : memref<!tpu.dma_semaphore, #tpu.memory_space<semaphore_mem>>) src(%arg6 : memref<64x1024xf32, #tpu.memory_space<vmem>>) dst(%dma_wait3A_14 : memref<64x1024xf32, #tpu.memory_space<hbm>>)
      tpu.yield
    }) : () -> ()
    return
  }
}

module attributes {stable_mosaic.version = 14 : i64} {
  func.func @_embed_body(%arg0: i32, %arg1: memref<256x1024xf32, #tpu.memory_space<vmem>>, %arg2: memref<256x1024xf32, #tpu.memory_space<vmem>>, %arg3: memref<1x1024xf32, #tpu.memory_space<vmem>>, %arg4: memref<1x1024xf32, #tpu.memory_space<vmem>>, %arg5: memref<1x1024xf32, #tpu.memory_space<vmem>>, %arg6: memref<256x1024xbf16, #tpu.memory_space<vmem>>) attributes {dimension_semantics = [#tpu.dimension_semantics<arbitrary>], iteration_bounds = array<i64: 8>, scalar_prefetch = 0 : i64, scratch_operands = 0 : i64, tpu.core_type = #tpu.core_type<tc>, window_params = [{transform_indices = @transform_0, window_bounds = array<i64: 256, 1024>}, {transform_indices = @transform_1, window_bounds = array<i64: 256, 1024>}, {pipeline_mode = #tpu.pipeline_mode<synchronous>, transform_indices = @transform_2, window_bounds = array<i64: 1, 1024>}, {pipeline_mode = #tpu.pipeline_mode<synchronous>, transform_indices = @transform_3, window_bounds = array<i64: 1, 1024>}, {pipeline_mode = #tpu.pipeline_mode<synchronous>, transform_indices = @transform_4, window_bounds = array<i64: 1, 1024>}, {transform_indices = @transform_5, window_bounds = array<i64: 256, 1024>}]} {
    %get3A = arith.constant 0 : index
    %get3A_0 = arith.constant 0 : index
    %get3A_1 = vector.load %arg1[%get3A, %get3A_0] : memref<256x1024xf32, #tpu.memory_space<vmem>>, vector<256x1024xf32>
    %get3A_2 = arith.constant 0 : index
    %get3A_3 = arith.constant 0 : index
    %get3A_4 = vector.load %arg2[%get3A_2, %get3A_3] : memref<256x1024xf32, #tpu.memory_space<vmem>>, vector<256x1024xf32>
    %add3A = arith.addf %get3A_1, %get3A_4 : vector<256x1024xf32>
    %get3A_5 = arith.constant 0 : index
    %get3A_6 = arith.constant 0 : index
    %get3A_7 = vector.load %arg3[%get3A_5, %get3A_6] : memref<1x1024xf32, #tpu.memory_space<vmem>>, vector<1x1024xf32>
    %add3A_8 = vector.broadcast %get3A_7 : vector<1x1024xf32> to vector<256x1024xf32>
    %add3A_9 = arith.addf %add3A, %add3A_8 : vector<256x1024xf32>
    %reduce_sum3A = arith.constant dense<0.000000e+00> : vector<256xf32>
    %reduce_sum3A_10 = vector.multi_reduction <add>, %add3A_9, %reduce_sum3A [1] : vector<256x1024xf32> to vector<256xf32>
    %broadcast_in_dim3A = vector.shape_cast %reduce_sum3A_10 : vector<256xf32> to vector<256x1xf32>
    %div3A = arith.constant 1.024000e+03 : f32
    %div3A_11 = vector.broadcast %div3A : f32 to vector<256x1xf32>
    %div3A_12 = arith.divf %broadcast_in_dim3A, %div3A_11 : vector<256x1xf32>
    %sub3A = vector.broadcast %div3A_12 : vector<256x1xf32> to vector<256x1024xf32>
    %sub3A_13 = arith.subf %add3A_9, %sub3A : vector<256x1024xf32>
    %integer_pow3A = arith.mulf %sub3A_13, %sub3A_13 : vector<256x1024xf32>
    %reduce_sum3A_14 = arith.constant dense<0.000000e+00> : vector<256xf32>
    %reduce_sum3A_15 = vector.multi_reduction <add>, %integer_pow3A, %reduce_sum3A_14 [1] : vector<256x1024xf32> to vector<256xf32>
    %broadcast_in_dim3A_16 = vector.shape_cast %reduce_sum3A_15 : vector<256xf32> to vector<256x1xf32>
    %div3A_17 = arith.constant 1.024000e+03 : f32
    %div3A_18 = vector.broadcast %div3A_17 : f32 to vector<256x1xf32>
    %div3A_19 = arith.divf %broadcast_in_dim3A_16, %div3A_18 : vector<256x1xf32>
    %sub3A_20 = vector.broadcast %div3A_12 : vector<256x1xf32> to vector<256x1024xf32>
    %sub3A_21 = arith.subf %add3A_9, %sub3A_20 : vector<256x1024xf32>
    %add3A_22 = arith.constant 9.99999974E-6 : f32
    %add3A_23 = vector.broadcast %add3A_22 : f32 to vector<256x1xf32>
    %add3A_24 = arith.addf %div3A_19, %add3A_23 : vector<256x1xf32>
    %sqrt3A = math.sqrt %add3A_24 : vector<256x1xf32>
    %div3A_25 = vector.broadcast %sqrt3A : vector<256x1xf32> to vector<256x1024xf32>
    %div3A_26 = arith.divf %sub3A_21, %div3A_25 : vector<256x1024xf32>
    %get3A_27 = arith.constant 0 : index
    %get3A_28 = arith.constant 0 : index
    %get3A_29 = vector.load %arg4[%get3A_27, %get3A_28] : memref<1x1024xf32, #tpu.memory_space<vmem>>, vector<1x1024xf32>
    %mul3A = vector.broadcast %get3A_29 : vector<1x1024xf32> to vector<256x1024xf32>
    %mul3A_30 = arith.mulf %div3A_26, %mul3A : vector<256x1024xf32>
    %get3A_31 = arith.constant 0 : index
    %get3A_32 = arith.constant 0 : index
    %get3A_33 = vector.load %arg5[%get3A_31, %get3A_32] : memref<1x1024xf32, #tpu.memory_space<vmem>>, vector<1x1024xf32>
    %add3A_34 = vector.broadcast %get3A_33 : vector<1x1024xf32> to vector<256x1024xf32>
    %add3A_35 = arith.addf %mul3A_30, %add3A_34 : vector<256x1024xf32>
    %convert_element_type3A = arith.truncf %add3A_35 : vector<256x1024xf32> to vector<256x1024xbf16>
    %swap3A = arith.constant 0 : index
    %swap3A_36 = arith.constant 0 : index
    %swap3A_37 = vector.load %arg6[%swap3A, %swap3A_36] : memref<256x1024xbf16, #tpu.memory_space<vmem>>, vector<256x1024xbf16>
    tpu.vector_store %arg6[%swap3A, %swap3A_36], %convert_element_type3A {strides = array<i32>} : memref<256x1024xbf16, #tpu.memory_space<vmem>>, vector<256x1024xbf16>,
    return
  }
  func.func @transform_0(%arg0: i32) -> (i32, i32) {
    %c0_i32 = arith.constant 0 : i32
    %c0_i32_0 = arith.constant 0 : i32
    return %arg0, %c0_i32 : i32, i32
  }
  func.func @transform_1(%arg0: i32) -> (i32, i32) {
    %c0_i32 = arith.constant 0 : i32
    %c0_i32_0 = arith.constant 0 : i32
    return %arg0, %c0_i32 : i32, i32
  }
  func.func @transform_2(%arg0: i32) -> (i32, i32) {
    %c0_i32 = arith.constant 0 : i32
    %c0_i32_0 = arith.constant 0 : i32
    %c0_i32_1 = arith.constant 0 : i32
    return %c0_i32, %c0_i32_0 : i32, i32
  }
  func.func @transform_3(%arg0: i32) -> (i32, i32) {
    %c0_i32 = arith.constant 0 : i32
    %c0_i32_0 = arith.constant 0 : i32
    %c0_i32_1 = arith.constant 0 : i32
    return %c0_i32, %c0_i32_0 : i32, i32
  }
  func.func @transform_4(%arg0: i32) -> (i32, i32) {
    %c0_i32 = arith.constant 0 : i32
    %c0_i32_0 = arith.constant 0 : i32
    %c0_i32_1 = arith.constant 0 : i32
    return %c0_i32, %c0_i32_0 : i32, i32
  }
  func.func @transform_5(%arg0: i32) -> (i32, i32) {
    %c0_i32 = arith.constant 0 : i32
    %c0_i32_0 = arith.constant 0 : i32
    return %arg0, %c0_i32 : i32, i32
  }
}

module attributes {stable_mosaic.version = 14 : i64} {
  func.func @_moe_body(%arg0: i32, %arg1: memref<2048x1024xbf16, #tpu.memory_space<vmem>>, %arg2: memref<1024x8xf32, #tpu.memory_space<vmem>>, %arg3: memref<1x1024x1024xf32, #tpu.memory_space<vmem>>, %arg4: memref<1x1x1024xf32, #tpu.memory_space<vmem>>, %arg5: memref<1x1024x1024xf32, #tpu.memory_space<vmem>>, %arg6: memref<1x1x1024xf32, #tpu.memory_space<vmem>>, %arg7: memref<2048x1024xbf16, #tpu.memory_space<vmem>>, %arg8: memref<2048x8xf32, #tpu.memory_space<vmem>>, %arg9: memref<2048x1024xf32, #tpu.memory_space<vmem>>) attributes {dimension_semantics = [#tpu.dimension_semantics<arbitrary>], iteration_bounds = array<i64: 8>, scalar_prefetch = 0 : i64, scratch_operands = 2 : i64, tpu.core_type = #tpu.core_type<tc>, window_params = [{pipeline_mode = #tpu.pipeline_mode<synchronous>, transform_indices = @transform_0, window_bounds = array<i64: 2048, 1024>}, {pipeline_mode = #tpu.pipeline_mode<synchronous>, transform_indices = @transform_1, window_bounds = array<i64: 1024, 8>}, {transform_indices = @transform_2, window_bounds = array<i64: 1, 1024, 1024>}, {transform_indices = @transform_3, window_bounds = array<i64: 1, 1, 1024>}, {transform_indices = @transform_4, window_bounds = array<i64: 1, 1024, 1024>}, {transform_indices = @transform_5, window_bounds = array<i64: 1, 1, 1024>}, {pipeline_mode = #tpu.pipeline_mode<synchronous>, transform_indices = @transform_6, window_bounds = array<i64: 2048, 1024>}]} {
    %eq3A = arith.constant 0 : i32
    %eq3A_0 = arith.cmpi eq, %arg0, %eq3A : i32
    %convert_element_type3A = arith.extui %eq3A_0 : i1 to i32
    %cond3A = arith.constant 0 : i32
    %cond3A_1 = arith.cmpi ne, %convert_element_type3A, %cond3A : i32
    scf.if %cond3A_1 {
      %get3A_73 = arith.constant 0 : index
      %get3A_74 = arith.constant 0 : index
      %get3A_75 = vector.load %arg1[%get3A_73, %get3A_74] : memref<2048x1024xbf16, #tpu.memory_space<vmem>>, vector<2048x1024xbf16>
      %get3A_76 = arith.constant 0 : index
      %get3A_77 = arith.constant 0 : index
      %get3A_78 = vector.load %arg2[%get3A_76, %get3A_77] : memref<1024x8xf32, #tpu.memory_space<vmem>>, vector<1024x8xf32>
      %convert_element_type3A_79 = arith.truncf %get3A_78 : vector<1024x8xf32> to vector<1024x8xbf16>
      %dot_general3A_80 = arith.constant dense<0.000000e+00> : vector<2048x8xf32>
      %dot_general3A_81 = tpu.matmul %get3A_75, %convert_element_type3A_79, %dot_general3A_80 {dimension_numbers = #tpu.dot_dimension_numbers<[1], [0], [0], [1], [0, 0, 1, 1], [], []>, transpose_lhs_hint = false} : vector<2048x1024xbf16>, vector<1024x8xbf16>, vector<2048x8xf32> -> vector<2048x8xf32>
      %iota3A_82 = tpu.iota {dimensions = array<i32: 1>} : vector<2048x8xi32>
      %broadcast_in_dim3A = arith.constant 0 : i32
      %broadcast_in_dim3A_83 = vector.broadcast %broadcast_in_dim3A : i32 to vector<2048x8xi32>
      %slice3A = vector.extract_strided_slice %dot_general3A_81 {offsets = [0, 0], sizes = [2048, 1], strides = [1, 1]} : vector<2048x8xf32> to vector<2048x1xf32>
      %gt3A = vector.broadcast %slice3A : vector<2048x1xf32> to vector<2048x8xf32>
      %gt3A_84 = arith.cmpf ogt, %gt3A, %dot_general3A_81 : vector<2048x8xf32>
      %eq3A_85 = vector.broadcast %slice3A : vector<2048x1xf32> to vector<2048x8xf32>
      %eq3A_86 = arith.cmpf oeq, %eq3A_85, %dot_general3A_81 : vector<2048x8xf32>
      %gt3A_87 = arith.constant 0 : i32
      %gt3A_88 = vector.broadcast %gt3A_87 : i32 to vector<2048x8xi32>
      %gt3A_89 = arith.cmpi sgt, %iota3A_82, %gt3A_88 : vector<2048x8xi32>
      %and3A = arith.andi %eq3A_86, %gt3A_89 : vector<2048x8xi1>
      %or3A = arith.ori %gt3A_84, %and3A : vector<2048x8xi1>
      %convert_element_type3A_90 = arith.extui %or3A : vector<2048x8xi1> to vector<2048x8xi32>
      %add3A_91 = arith.addi %broadcast_in_dim3A_83, %convert_element_type3A_90 : vector<2048x8xi32>
      %slice3A_92 = vector.extract_strided_slice %dot_general3A_81 {offsets = [0, 1], sizes = [2048, 1], strides = [1, 1]} : vector<2048x8xf32> to vector<2048x1xf32>
      %gt3A_93 = vector.broadcast %slice3A_92 : vector<2048x1xf32> to vector<2048x8xf32>
      %gt3A_94 = arith.cmpf ogt, %gt3A_93, %dot_general3A_81 : vector<2048x8xf32>
      %eq3A_95 = vector.broadcast %slice3A_92 : vector<2048x1xf32> to vector<2048x8xf32>
      %eq3A_96 = arith.cmpf oeq, %eq3A_95, %dot_general3A_81 : vector<2048x8xf32>
      %gt3A_97 = arith.constant 1 : i32
      %gt3A_98 = vector.broadcast %gt3A_97 : i32 to vector<2048x8xi32>
      %gt3A_99 = arith.cmpi sgt, %iota3A_82, %gt3A_98 : vector<2048x8xi32>
      %and3A_100 = arith.andi %eq3A_96, %gt3A_99 : vector<2048x8xi1>
      %or3A_101 = arith.ori %gt3A_94, %and3A_100 : vector<2048x8xi1>
      %convert_element_type3A_102 = arith.extui %or3A_101 : vector<2048x8xi1> to vector<2048x8xi32>
      %add3A_103 = arith.addi %add3A_91, %convert_element_type3A_102 : vector<2048x8xi32>
      %slice3A_104 = vector.extract_strided_slice %dot_general3A_81 {offsets = [0, 2], sizes = [2048, 1], strides = [1, 1]} : vector<2048x8xf32> to vector<2048x1xf32>
      %gt3A_105 = vector.broadcast %slice3A_104 : vector<2048x1xf32> to vector<2048x8xf32>
      %gt3A_106 = arith.cmpf ogt, %gt3A_105, %dot_general3A_81 : vector<2048x8xf32>
      %eq3A_107 = vector.broadcast %slice3A_104 : vector<2048x1xf32> to vector<2048x8xf32>
      %eq3A_108 = arith.cmpf oeq, %eq3A_107, %dot_general3A_81 : vector<2048x8xf32>
      %gt3A_109 = arith.constant 2 : i32
      %gt3A_110 = vector.broadcast %gt3A_109 : i32 to vector<2048x8xi32>
      %gt3A_111 = arith.cmpi sgt, %iota3A_82, %gt3A_110 : vector<2048x8xi32>
      %and3A_112 = arith.andi %eq3A_108, %gt3A_111 : vector<2048x8xi1>
      %or3A_113 = arith.ori %gt3A_106, %and3A_112 : vector<2048x8xi1>
      %convert_element_type3A_114 = arith.extui %or3A_113 : vector<2048x8xi1> to vector<2048x8xi32>
      %add3A_115 = arith.addi %add3A_103, %convert_element_type3A_114 : vector<2048x8xi32>
      %slice3A_116 = vector.extract_strided_slice %dot_general3A_81 {offsets = [0, 3], sizes = [2048, 1], strides = [1, 1]} : vector<2048x8xf32> to vector<2048x1xf32>
      %gt3A_117 = vector.broadcast %slice3A_116 : vector<2048x1xf32> to vector<2048x8xf32>
      %gt3A_118 = arith.cmpf ogt, %gt3A_117, %dot_general3A_81 : vector<2048x8xf32>
      %eq3A_119 = vector.broadcast %slice3A_116 : vector<2048x1xf32> to vector<2048x8xf32>
      %eq3A_120 = arith.cmpf oeq, %eq3A_119, %dot_general3A_81 : vector<2048x8xf32>
      %gt3A_121 = arith.constant 3 : i32
      %gt3A_122 = vector.broadcast %gt3A_121 : i32 to vector<2048x8xi32>
      %gt3A_123 = arith.cmpi sgt, %iota3A_82, %gt3A_122 : vector<2048x8xi32>
      %and3A_124 = arith.andi %eq3A_120, %gt3A_123 : vector<2048x8xi1>
      %or3A_125 = arith.ori %gt3A_118, %and3A_124 : vector<2048x8xi1>
      %convert_element_type3A_126 = arith.extui %or3A_125 : vector<2048x8xi1> to vector<2048x8xi32>
      %add3A_127 = arith.addi %add3A_115, %convert_element_type3A_126 : vector<2048x8xi32>
      %slice3A_128 = vector.extract_strided_slice %dot_general3A_81 {offsets = [0, 4], sizes = [2048, 1], strides = [1, 1]} : vector<2048x8xf32> to vector<2048x1xf32>
      %gt3A_129 = vector.broadcast %slice3A_128 : vector<2048x1xf32> to vector<2048x8xf32>
      %gt3A_130 = arith.cmpf ogt, %gt3A_129, %dot_general3A_81 : vector<2048x8xf32>
      %eq3A_131 = vector.broadcast %slice3A_128 : vector<2048x1xf32> to vector<2048x8xf32>
      %eq3A_132 = arith.cmpf oeq, %eq3A_131, %dot_general3A_81 : vector<2048x8xf32>
      %gt3A_133 = arith.constant 4 : i32
      %gt3A_134 = vector.broadcast %gt3A_133 : i32 to vector<2048x8xi32>
      %gt3A_135 = arith.cmpi sgt, %iota3A_82, %gt3A_134 : vector<2048x8xi32>
      %and3A_136 = arith.andi %eq3A_132, %gt3A_135 : vector<2048x8xi1>
      %or3A_137 = arith.ori %gt3A_130, %and3A_136 : vector<2048x8xi1>
      %convert_element_type3A_138 = arith.extui %or3A_137 : vector<2048x8xi1> to vector<2048x8xi32>
      %add3A_139 = arith.addi %add3A_127, %convert_element_type3A_138 : vector<2048x8xi32>
      %slice3A_140 = vector.extract_strided_slice %dot_general3A_81 {offsets = [0, 5], sizes = [2048, 1], strides = [1, 1]} : vector<2048x8xf32> to vector<2048x1xf32>
      %gt3A_141 = vector.broadcast %slice3A_140 : vector<2048x1xf32> to vector<2048x8xf32>
      %gt3A_142 = arith.cmpf ogt, %gt3A_141, %dot_general3A_81 : vector<2048x8xf32>
      %eq3A_143 = vector.broadcast %slice3A_140 : vector<2048x1xf32> to vector<2048x8xf32>
      %eq3A_144 = arith.cmpf oeq, %eq3A_143, %dot_general3A_81 : vector<2048x8xf32>
      %gt3A_145 = arith.constant 5 : i32
      %gt3A_146 = vector.broadcast %gt3A_145 : i32 to vector<2048x8xi32>
      %gt3A_147 = arith.cmpi sgt, %iota3A_82, %gt3A_146 : vector<2048x8xi32>
      %and3A_148 = arith.andi %eq3A_144, %gt3A_147 : vector<2048x8xi1>
      %or3A_149 = arith.ori %gt3A_142, %and3A_148 : vector<2048x8xi1>
      %convert_element_type3A_150 = arith.extui %or3A_149 : vector<2048x8xi1> to vector<2048x8xi32>
      %add3A_151 = arith.addi %add3A_139, %convert_element_type3A_150 : vector<2048x8xi32>
      %slice3A_152 = vector.extract_strided_slice %dot_general3A_81 {offsets = [0, 6], sizes = [2048, 1], strides = [1, 1]} : vector<2048x8xf32> to vector<2048x1xf32>
      %gt3A_153 = vector.broadcast %slice3A_152 : vector<2048x1xf32> to vector<2048x8xf32>
      %gt3A_154 = arith.cmpf ogt, %gt3A_153, %dot_general3A_81 : vector<2048x8xf32>
      %eq3A_155 = vector.broadcast %slice3A_152 : vector<2048x1xf32> to vector<2048x8xf32>
      %eq3A_156 = arith.cmpf oeq, %eq3A_155, %dot_general3A_81 : vector<2048x8xf32>
      %gt3A_157 = arith.constant 6 : i32
      %gt3A_158 = vector.broadcast %gt3A_157 : i32 to vector<2048x8xi32>
      %gt3A_159 = arith.cmpi sgt, %iota3A_82, %gt3A_158 : vector<2048x8xi32>
      %and3A_160 = arith.andi %eq3A_156, %gt3A_159 : vector<2048x8xi1>
      %or3A_161 = arith.ori %gt3A_154, %and3A_160 : vector<2048x8xi1>
      %convert_element_type3A_162 = arith.extui %or3A_161 : vector<2048x8xi1> to vector<2048x8xi32>
      %add3A_163 = arith.addi %add3A_151, %convert_element_type3A_162 : vector<2048x8xi32>
      %slice3A_164 = vector.extract_strided_slice %dot_general3A_81 {offsets = [0, 7], sizes = [2048, 1], strides = [1, 1]} : vector<2048x8xf32> to vector<2048x1xf32>
      %gt3A_165 = vector.broadcast %slice3A_164 : vector<2048x1xf32> to vector<2048x8xf32>
      %gt3A_166 = arith.cmpf ogt, %gt3A_165, %dot_general3A_81 : vector<2048x8xf32>
      %eq3A_167 = vector.broadcast %slice3A_164 : vector<2048x1xf32> to vector<2048x8xf32>
      %eq3A_168 = arith.cmpf oeq, %eq3A_167, %dot_general3A_81 : vector<2048x8xf32>
      %gt3A_169 = arith.constant 7 : i32
      %gt3A_170 = vector.broadcast %gt3A_169 : i32 to vector<2048x8xi32>
      %gt3A_171 = arith.cmpi sgt, %iota3A_82, %gt3A_170 : vector<2048x8xi32>
      %and3A_172 = arith.andi %eq3A_168, %gt3A_171 : vector<2048x8xi1>
      %or3A_173 = arith.ori %gt3A_166, %and3A_172 : vector<2048x8xi1>
      %convert_element_type3A_174 = arith.extui %or3A_173 : vector<2048x8xi1> to vector<2048x8xi32>
      %add3A_175 = arith.addi %add3A_163, %convert_element_type3A_174 : vector<2048x8xi32>
      %lt3A = arith.constant 5 : i32
      %lt3A_176 = vector.broadcast %lt3A : i32 to vector<2048x8xi32>
      %lt3A_177 = arith.cmpi slt, %add3A_175, %lt3A_176 : vector<2048x8xi32>
      %reduce_max3A = arith.constant dense<0xFF800000> : vector<2048xf32>
      %reduce_max3A_178 = vector.multi_reduction <maximumf>, %dot_general3A_81, %reduce_max3A [1] : vector<2048x8xf32> to vector<2048xf32>
      %broadcast_in_dim3A_179 = vector.shape_cast %reduce_max3A_178 : vector<2048xf32> to vector<2048x1xf32>
      %sub3A = vector.broadcast %broadcast_in_dim3A_179 : vector<2048x1xf32> to vector<2048x8xf32>
      %sub3A_180 = arith.subf %dot_general3A_81, %sub3A : vector<2048x8xf32>
      %exp3A = math.exp %sub3A_180 : vector<2048x8xf32>
      %jit3A = arith.constant 0.000000e+00 : f32
      %broadcast_in_dim3A_181 = vector.broadcast %jit3A : f32 to vector<2048x8xf32>
      %select_n3A = arith.select %lt3A_177, %exp3A, %broadcast_in_dim3A_181 : vector<2048x8xi1>, vector<2048x8xf32>
      %reduce_sum3A = arith.constant dense<0.000000e+00> : vector<2048xf32>
      %reduce_sum3A_182 = vector.multi_reduction <add>, %select_n3A, %reduce_sum3A [1] : vector<2048x8xf32> to vector<2048xf32>
      %broadcast_in_dim3A_183 = vector.shape_cast %reduce_sum3A_182 : vector<2048xf32> to vector<2048x1xf32>
      %div3A = vector.broadcast %broadcast_in_dim3A_183 : vector<2048x1xf32> to vector<2048x8xf32>
      %div3A_184 = arith.divf %select_n3A, %div3A : vector<2048x8xf32>
      %swap3A_185 = arith.constant 0 : index
      %swap3A_186 = arith.constant 0 : index
      %swap3A_187 = vector.load %arg8[%swap3A_185, %swap3A_186] : memref<2048x8xf32, #tpu.memory_space<vmem>>, vector<2048x8xf32>
      tpu.vector_store %arg8[%swap3A_185, %swap3A_186], %div3A_184 {strides = array<i32>} : memref<2048x8xf32, #tpu.memory_space<vmem>>, vector<2048x8xf32>,
      %broadcast_in_dim3A_188 = arith.constant 0.000000e+00 : f32
      %broadcast_in_dim3A_189 = vector.broadcast %broadcast_in_dim3A_188 : f32 to vector<2048x1024xf32>
      %swap3A_190 = arith.constant 0 : index
      %swap3A_191 = arith.constant 0 : index
      %swap3A_192 = vector.load %arg9[%swap3A_190, %swap3A_191] : memref<2048x1024xf32, #tpu.memory_space<vmem>>, vector<2048x1024xf32>
      tpu.vector_store %arg9[%swap3A_190, %swap3A_191], %broadcast_in_dim3A_189 {strides = array<i32>} : memref<2048x1024xf32, #tpu.memory_space<vmem>>, vector<2048x1024xf32>,
    } else {
    }
    %get3A = arith.constant 0 : index
    %get3A_2 = arith.constant 0 : index
    %get3A_3 = vector.load %arg1[%get3A, %get3A_2] : memref<2048x1024xbf16, #tpu.memory_space<vmem>>, vector<2048x1024xbf16>
    %get3A_4 = arith.constant 0 : index
    %get3A_5 = arith.constant 0 : index
    %get3A_6 = arith.constant 0 : index
    %get3A_7 = vector.load %arg3[%get3A_4, %get3A_5, %get3A_6] : memref<1x1024x1024xf32, #tpu.memory_space<vmem>>, vector<1x1024x1024xf32>
    %get3A_8 = vector.shape_cast %get3A_7 : vector<1x1024x1024xf32> to vector<1024x1024xf32>
    %convert_element_type3A_9 = arith.truncf %get3A_8 : vector<1024x1024xf32> to vector<1024x1024xbf16>
    %dot_general3A = arith.constant dense<0.000000e+00> : vector<2048x1024xf32>
    %dot_general3A_10 = tpu.matmul %get3A_3, %convert_element_type3A_9, %dot_general3A {dimension_numbers = #tpu.dot_dimension_numbers<[1], [0], [0], [1], [0, 0, 1, 1], [], []>, transpose_lhs_hint = false} : vector<2048x1024xbf16>, vector<1024x1024xbf16>, vector<2048x1024xf32> -> vector<2048x1024xf32>
    %get3A_11 = arith.constant 0 : index
    %get3A_12 = arith.constant 0 : index
    %get3A_13 = arith.constant 0 : index
    %get3A_14 = vector.load %arg4[%get3A_11, %get3A_12, %get3A_13] : memref<1x1x1024xf32, #tpu.memory_space<vmem>>, vector<1x1x1024xf32>
    %get3A_15 = vector.shape_cast %get3A_14 : vector<1x1x1024xf32> to vector<1x1024xf32>
    %add3A = vector.broadcast %get3A_15 : vector<1x1024xf32> to vector<2048x1024xf32>
    %add3A_16 = arith.addf %dot_general3A_10, %add3A : vector<2048x1024xf32>
    %integer_pow3A = arith.mulf %add3A_16, %add3A_16 : vector<2048x1024xf32>
    %integer_pow3A_17 = arith.mulf %add3A_16, %integer_pow3A : vector<2048x1024xf32>
    %mul3A = arith.constant 4.471500e-02 : f32
    %mul3A_18 = vector.broadcast %mul3A : f32 to vector<2048x1024xf32>
    %mul3A_19 = arith.mulf %mul3A_18, %integer_pow3A_17 : vector<2048x1024xf32>
    %add3A_20 = arith.addf %add3A_16, %mul3A_19 : vector<2048x1024xf32>
    %mul3A_21 = arith.constant 0.797884583 : f32
    %mul3A_22 = vector.broadcast %mul3A_21 : f32 to vector<2048x1024xf32>
    %mul3A_23 = arith.mulf %mul3A_22, %add3A_20 : vector<2048x1024xf32>
    %tanh3A = math.tanh %mul3A_23 : vector<2048x1024xf32>
    %add3A_24 = arith.constant 1.000000e+00 : f32
    %add3A_25 = vector.broadcast %add3A_24 : f32 to vector<2048x1024xf32>
    %add3A_26 = arith.addf %add3A_25, %tanh3A : vector<2048x1024xf32>
    %mul3A_27 = arith.constant 5.000000e-01 : f32
    %mul3A_28 = vector.broadcast %mul3A_27 : f32 to vector<2048x1024xf32>
    %mul3A_29 = arith.mulf %mul3A_28, %add3A_26 : vector<2048x1024xf32>
    %mul3A_30 = arith.mulf %add3A_16, %mul3A_29 : vector<2048x1024xf32>
    %convert_element_type3A_31 = arith.truncf %mul3A_30 : vector<2048x1024xf32> to vector<2048x1024xbf16>
    %get3A_32 = arith.constant 0 : index
    %get3A_33 = arith.constant 0 : index
    %get3A_34 = arith.constant 0 : index
    %get3A_35 = vector.load %arg5[%get3A_32, %get3A_33, %get3A_34] : memref<1x1024x1024xf32, #tpu.memory_space<vmem>>, vector<1x1024x1024xf32>
    %get3A_36 = vector.shape_cast %get3A_35 : vector<1x1024x1024xf32> to vector<1024x1024xf32>
    %convert_element_type3A_37 = arith.truncf %get3A_36 : vector<1024x1024xf32> to vector<1024x1024xbf16>
    %dot_general3A_38 = arith.constant dense<0.000000e+00> : vector<2048x1024xf32>
    %dot_general3A_39 = tpu.matmul %convert_element_type3A_31, %convert_element_type3A_37, %dot_general3A_38 {dimension_numbers = #tpu.dot_dimension_numbers<[1], [0], [0], [1], [0, 0, 1, 1], [], []>, transpose_lhs_hint = false} : vector<2048x1024xbf16>, vector<1024x1024xbf16>, vector<2048x1024xf32> -> vector<2048x1024xf32>
    %get3A_40 = arith.constant 0 : index
    %get3A_41 = arith.constant 0 : index
    %get3A_42 = arith.constant 0 : index
    %get3A_43 = vector.load %arg6[%get3A_40, %get3A_41, %get3A_42] : memref<1x1x1024xf32, #tpu.memory_space<vmem>>, vector<1x1x1024xf32>
    %get3A_44 = vector.shape_cast %get3A_43 : vector<1x1x1024xf32> to vector<1x1024xf32>
    %add3A_45 = vector.broadcast %get3A_44 : vector<1x1024xf32> to vector<2048x1024xf32>
    %add3A_46 = arith.addf %dot_general3A_39, %add3A_45 : vector<2048x1024xf32>
    %iota3A = tpu.iota {dimensions = array<i32: 0>} : vector<8x1xi32>
    %eq3A_47 = vector.broadcast %arg0 : i32 to vector<8x1xi32>
    %eq3A_48 = arith.cmpi eq, %iota3A, %eq3A_47 : vector<8x1xi32>
    %convert_element_type3A_49 = arith.extui %eq3A_48 : vector<8x1xi1> to vector<8x1xi32>
    %convert_element_type3A_50 = arith.sitofp %convert_element_type3A_49 : vector<8x1xi32> to vector<8x1xf32>
    %get3A_51 = arith.constant 0 : index
    %get3A_52 = arith.constant 0 : index
    %get3A_53 = vector.load %arg8[%get3A_51, %get3A_52] : memref<2048x8xf32, #tpu.memory_space<vmem>>, vector<2048x8xf32>
    %dot_general3A_54 = arith.constant dense<0.000000e+00> : vector<2048x1xf32>
    %dot_general3A_55 = tpu.matmul %get3A_53, %convert_element_type3A_50, %dot_general3A_54 {dimension_numbers = #tpu.dot_dimension_numbers<[1], [0], [0], [1], [0, 0, 1, 1], [], []>, transpose_lhs_hint = false} : vector<2048x8xf32>, vector<8x1xf32>, vector<2048x1xf32> -> vector<2048x1xf32>
    %get3A_56 = arith.constant 0 : index
    %get3A_57 = arith.constant 0 : index
    %get3A_58 = vector.load %arg9[%get3A_56, %get3A_57] : memref<2048x1024xf32, #tpu.memory_space<vmem>>, vector<2048x1024xf32>
    %convert_element_type3A_59 = arith.truncf %dot_general3A_55 : vector<2048x1xf32> to vector<2048x1xbf16>
    %convert_element_type3A_60 = arith.extf %convert_element_type3A_59 : vector<2048x1xbf16> to vector<2048x1xf32>
    %convert_element_type3A_61 = arith.truncf %add3A_46 : vector<2048x1024xf32> to vector<2048x1024xbf16>
    %convert_element_type3A_62 = arith.extf %convert_element_type3A_61 : vector<2048x1024xbf16> to vector<2048x1024xf32>
    %mul3A_63 = vector.broadcast %convert_element_type3A_60 : vector<2048x1xf32> to vector<2048x1024xf32>
    %mul3A_64 = arith.mulf %mul3A_63, %convert_element_type3A_62 : vector<2048x1024xf32>
    %add3A_65 = arith.addf %get3A_58, %mul3A_64 : vector<2048x1024xf32>
    %swap3A = arith.constant 0 : index
    %swap3A_66 = arith.constant 0 : index
    %swap3A_67 = vector.load %arg9[%swap3A, %swap3A_66] : memref<2048x1024xf32, #tpu.memory_space<vmem>>, vector<2048x1024xf32>
    tpu.vector_store %arg9[%swap3A, %swap3A_66], %add3A_65 {strides = array<i32>} : memref<2048x1024xf32, #tpu.memory_space<vmem>>, vector<2048x1024xf32>,
    %eq3A_68 = arith.constant 7 : i32
    %eq3A_69 = arith.cmpi eq, %arg0, %eq3A_68 : i32
    %convert_element_type3A_70 = arith.extui %eq3A_69 : i1 to i32
    %cond3A_71 = arith.constant 0 : i32
    %cond3A_72 = arith.cmpi ne, %convert_element_type3A_70, %cond3A_71 : i32
    scf.if %cond3A_72 {
      %get3A_73 = arith.constant 0 : index
      %get3A_74 = arith.constant 0 : index
      %get3A_75 = vector.load %arg9[%get3A_73, %get3A_74] : memref<2048x1024xf32, #tpu.memory_space<vmem>>, vector<2048x1024xf32>
      %convert_element_type3A_76 = arith.truncf %get3A_75 : vector<2048x1024xf32> to vector<2048x1024xbf16>
      %swap3A_77 = arith.constant 0 : index
      %swap3A_78 = arith.constant 0 : index
      %swap3A_79 = vector.load %arg7[%swap3A_77, %swap3A_78] : memref<2048x1024xbf16, #tpu.memory_space<vmem>>, vector<2048x1024xbf16>
      tpu.vector_store %arg7[%swap3A_77, %swap3A_78], %convert_element_type3A_76 {strides = array<i32>} : memref<2048x1024xbf16, #tpu.memory_space<vmem>>, vector<2048x1024xbf16>,
    } else {
    }
    return
  }
  func.func @transform_0(%arg0: i32) -> (i32, i32) {
    %c0_i32 = arith.constant 0 : i32
    %c0_i32_0 = arith.constant 0 : i32
    %c0_i32_1 = arith.constant 0 : i32
    return %c0_i32, %c0_i32_0 : i32, i32
  }
  func.func @transform_1(%arg0: i32) -> (i32, i32) {
    %c0_i32 = arith.constant 0 : i32
    %c0_i32_0 = arith.constant 0 : i32
    %c0_i32_1 = arith.constant 0 : i32
    return %c0_i32, %c0_i32_0 : i32, i32
  }
  func.func @transform_2(%arg0: i32) -> (i32, i32, i32) {
    %c0_i32 = arith.constant 0 : i32
    %c0_i32_0 = arith.constant 0 : i32
    %c0_i32_1 = arith.constant 0 : i32
    return %arg0, %c0_i32, %c0_i32_0 : i32, i32, i32
  }
  func.func @transform_3(%arg0: i32) -> (i32, i32, i32) {
    %c0_i32 = arith.constant 0 : i32
    %c0_i32_0 = arith.constant 0 : i32
    %c0_i32_1 = arith.constant 0 : i32
    return %arg0, %c0_i32, %c0_i32_0 : i32, i32, i32
  }
  func.func @transform_4(%arg0: i32) -> (i32, i32, i32) {
    %c0_i32 = arith.constant 0 : i32
    %c0_i32_0 = arith.constant 0 : i32
    %c0_i32_1 = arith.constant 0 : i32
    return %arg0, %c0_i32, %c0_i32_0 : i32, i32, i32
  }
  func.func @transform_5(%arg0: i32) -> (i32, i32, i32) {
    %c0_i32 = arith.constant 0 : i32
    %c0_i32_0 = arith.constant 0 : i32
    %c0_i32_1 = arith.constant 0 : i32
    return %arg0, %c0_i32, %c0_i32_0 : i32, i32, i32
  }
  func.func @transform_6(%arg0: i32) -> (i32, i32) {
    %c0_i32 = arith.constant 0 : i32
    %c0_i32_0 = arith.constant 0 : i32
    %c0_i32_1 = arith.constant 0 : i32
    return %c0_i32, %c0_i32_0 : i32, i32
  }
}

module attributes {stable_mosaic.version = 14 : i64} {
  func.func @_lm_body(%arg0: i32, %arg1: memref<2048x1024xbf16, #tpu.memory_space<vmem>>, %arg2: memref<1024x1024xf32, #tpu.memory_space<vmem>>, %arg3: memref<1x1024xf32, #tpu.memory_space<vmem>>, %arg4: memref<2048x1xi32, #tpu.memory_space<vmem>>, %arg5: memref<2048x1024xf32, #tpu.memory_space<vmem>>, %arg6: memref<1x1xf32, #tpu.memory_space<vmem>>, %arg7: memref<2048x1xf32, #tpu.memory_space<vmem>>, %arg8: memref<2048x1xf32, #tpu.memory_space<vmem>>, %arg9: memref<2048x1xf32, #tpu.memory_space<vmem>>) attributes {dimension_semantics = [#tpu.dimension_semantics<arbitrary>], iteration_bounds = array<i64: 50>, scalar_prefetch = 0 : i64, scratch_operands = 3 : i64, tpu.core_type = #tpu.core_type<tc>, window_params = [{pipeline_mode = #tpu.pipeline_mode<synchronous>, transform_indices = @transform_0, window_bounds = array<i64: 2048, 1024>}, {transform_indices = @transform_1, window_bounds = array<i64: 1024, 1024>}, {transform_indices = @transform_2, window_bounds = array<i64: 1, 1024>}, {pipeline_mode = #tpu.pipeline_mode<synchronous>, transform_indices = @transform_3, window_bounds = array<i64: 2048, 1>}, {transform_indices = @transform_4, window_bounds = array<i64: 2048, 1024>}, {pipeline_mode = #tpu.pipeline_mode<synchronous>, transform_indices = @transform_5, window_bounds = array<i64: 1, 1>}]} {
    %get3A = arith.constant 0 : index
    %get3A_0 = arith.constant 0 : index
    %get3A_1 = vector.load %arg1[%get3A, %get3A_0] : memref<2048x1024xbf16, #tpu.memory_space<vmem>>, vector<2048x1024xbf16>
    %get3A_2 = arith.constant 0 : index
    %get3A_3 = arith.constant 0 : index
    %get3A_4 = vector.load %arg2[%get3A_2, %get3A_3] : memref<1024x1024xf32, #tpu.memory_space<vmem>>, vector<1024x1024xf32>
    %convert_element_type3A = arith.truncf %get3A_4 : vector<1024x1024xf32> to vector<1024x1024xbf16>
    %dot_general3A = arith.constant dense<0.000000e+00> : vector<2048x1024xf32>
    %dot_general3A_5 = tpu.matmul %get3A_1, %convert_element_type3A, %dot_general3A {dimension_numbers = #tpu.dot_dimension_numbers<[1], [0], [0], [1], [0, 0, 1, 1], [], []>, transpose_lhs_hint = false} : vector<2048x1024xbf16>, vector<1024x1024xbf16>, vector<2048x1024xf32> -> vector<2048x1024xf32>
    %get3A_6 = arith.constant 0 : index
    %get3A_7 = arith.constant 0 : index
    %get3A_8 = vector.load %arg3[%get3A_6, %get3A_7] : memref<1x1024xf32, #tpu.memory_space<vmem>>, vector<1x1024xf32>
    %add3A = vector.broadcast %get3A_8 : vector<1x1024xf32> to vector<2048x1024xf32>
    %add3A_9 = arith.addf %dot_general3A_5, %add3A : vector<2048x1024xf32>
    %swap3A = arith.constant 0 : index
    %swap3A_10 = arith.constant 0 : index
    %swap3A_11 = vector.load %arg5[%swap3A, %swap3A_10] : memref<2048x1024xf32, #tpu.memory_space<vmem>>, vector<2048x1024xf32>
    tpu.vector_store %arg5[%swap3A, %swap3A_10], %add3A_9 {strides = array<i32>} : memref<2048x1024xf32, #tpu.memory_space<vmem>>, vector<2048x1024xf32>,
    %get3A_12 = arith.constant 0 : index
    %get3A_13 = arith.constant 0 : index
    %get3A_14 = vector.load %arg4[%get3A_12, %get3A_13] : memref<2048x1xi32, #tpu.memory_space<vmem>>, vector<2048x1xi32>
    %mul3A = arith.constant 1024 : i32
    %mul3A_15 = arith.muli %arg0, %mul3A : i32
    %sub3A = vector.broadcast %mul3A_15 : i32 to vector<2048x1xi32>
    %sub3A_16 = arith.subi %get3A_14, %sub3A : vector<2048x1xi32>
    %iota3A = tpu.iota {dimensions = array<i32: 1>} : vector<2048x1024xi32>
    %eq3A = vector.broadcast %sub3A_16 : vector<2048x1xi32> to vector<2048x1024xi32>
    %eq3A_17 = arith.cmpi eq, %iota3A, %eq3A : vector<2048x1024xi32>
    %jit3A = arith.constant 0.000000e+00 : f32
    %broadcast_in_dim3A = vector.broadcast %jit3A : f32 to vector<2048x1024xf32>
    %select_n3A = arith.select %eq3A_17, %add3A_9, %broadcast_in_dim3A : vector<2048x1024xi1>, vector<2048x1024xf32>
    %reduce_sum3A = arith.constant dense<0.000000e+00> : vector<2048xf32>
    %reduce_sum3A_18 = vector.multi_reduction <add>, %select_n3A, %reduce_sum3A [1] : vector<2048x1024xf32> to vector<2048xf32>
    %broadcast_in_dim3A_19 = vector.shape_cast %reduce_sum3A_18 : vector<2048xf32> to vector<2048x1xf32>
    %lt3A = arith.constant 49 : i32
    %lt3A_20 = arith.cmpi slt, %arg0, %lt3A : i32
    %convert_element_type3A_21 = arith.extui %lt3A_20 : i1 to i32
    %cond3A = arith.constant 0 : i32
    %cond3A_22 = arith.cmpi ne, %convert_element_type3A_21, %cond3A : i32
    scf.if %cond3A_22 {
      %reduce_max3A = arith.constant dense<0xFF800000> : vector<2048xf32>
      %reduce_max3A_28 = vector.multi_reduction <maximumf>, %add3A_9, %reduce_max3A [1] : vector<2048x1024xf32> to vector<2048xf32>
      %broadcast_in_dim3A_29 = vector.shape_cast %reduce_max3A_28 : vector<2048xf32> to vector<2048x1xf32>
      %eq3A_30 = arith.constant 0 : i32
      %eq3A_31 = arith.cmpi eq, %arg0, %eq3A_30 : i32
      %convert_element_type3A_32 = arith.extui %eq3A_31 : i1 to i32
      %cond3A_33 = arith.constant 0 : i32
      %cond3A_34 = arith.cmpi ne, %convert_element_type3A_32, %cond3A_33 : i32
      scf.if %cond3A_34 {
        %swap3A_39 = arith.constant 0 : index
        %swap3A_40 = arith.constant 0 : index
        %swap3A_41 = vector.load %arg7[%swap3A_39, %swap3A_40] : memref<2048x1xf32, #tpu.memory_space<vmem>>, vector<2048x1xf32>
        tpu.vector_store %arg7[%swap3A_39, %swap3A_40], %broadcast_in_dim3A_29 {strides = array<i32>} : memref<2048x1xf32, #tpu.memory_space<vmem>>, vector<2048x1xf32>,
        %sub3A_42 = vector.broadcast %broadcast_in_dim3A_29 : vector<2048x1xf32> to vector<2048x1024xf32>
        %sub3A_43 = arith.subf %add3A_9, %sub3A_42 : vector<2048x1024xf32>
        %exp3A = math.exp %sub3A_43 : vector<2048x1024xf32>
        %reduce_sum3A_44 = arith.constant dense<0.000000e+00> : vector<2048xf32>
        %reduce_sum3A_45 = vector.multi_reduction <add>, %exp3A, %reduce_sum3A_44 [1] : vector<2048x1024xf32> to vector<2048xf32>
        %broadcast_in_dim3A_46 = vector.shape_cast %reduce_sum3A_45 : vector<2048xf32> to vector<2048x1xf32>
        %swap3A_47 = arith.constant 0 : index
        %swap3A_48 = arith.constant 0 : index
        %swap3A_49 = vector.load %arg8[%swap3A_47, %swap3A_48] : memref<2048x1xf32, #tpu.memory_space<vmem>>, vector<2048x1xf32>
        tpu.vector_store %arg8[%swap3A_47, %swap3A_48], %broadcast_in_dim3A_46 {strides = array<i32>} : memref<2048x1xf32, #tpu.memory_space<vmem>>, vector<2048x1xf32>,
        %swap3A_50 = arith.constant 0 : index
        %swap3A_51 = arith.constant 0 : index
        %swap3A_52 = vector.load %arg9[%swap3A_50, %swap3A_51] : memref<2048x1xf32, #tpu.memory_space<vmem>>, vector<2048x1xf32>
        tpu.vector_store %arg9[%swap3A_50, %swap3A_51], %broadcast_in_dim3A_19 {strides = array<i32>} : memref<2048x1xf32, #tpu.memory_space<vmem>>, vector<2048x1xf32>,
      } else {
      }
      %gt3A = arith.constant 0 : i32
      %gt3A_35 = arith.cmpi sgt, %arg0, %gt3A : i32
      %convert_element_type3A_36 = arith.extui %gt3A_35 : i1 to i32
      %cond3A_37 = arith.constant 0 : i32
      %cond3A_38 = arith.cmpi ne, %convert_element_type3A_36, %cond3A_37 : i32
      scf.if %cond3A_38 {
        %get3A_39 = arith.constant 0 : index
        %get3A_40 = arith.constant 0 : index
        %get3A_41 = vector.load %arg7[%get3A_39, %get3A_40] : memref<2048x1xf32, #tpu.memory_space<vmem>>, vector<2048x1xf32>
        %max3A = arith.maximumf %get3A_41, %broadcast_in_dim3A_29 : vector<2048x1xf32>
        %get3A_42 = arith.constant 0 : index
        %get3A_43 = arith.constant 0 : index
        %get3A_44 = vector.load %arg8[%get3A_42, %get3A_43] : memref<2048x1xf32, #tpu.memory_space<vmem>>, vector<2048x1xf32>
        %get3A_45 = arith.constant 0 : index
        %get3A_46 = arith.constant 0 : index
        %get3A_47 = vector.load %arg7[%get3A_45, %get3A_46] : memref<2048x1xf32, #tpu.memory_space<vmem>>, vector<2048x1xf32>
        %sub3A_48 = arith.subf %get3A_47, %max3A : vector<2048x1xf32>
        %exp3A = math.exp %sub3A_48 : vector<2048x1xf32>
        %mul3A_49 = arith.mulf %get3A_44, %exp3A : vector<2048x1xf32>
        %sub3A_50 = vector.broadcast %max3A : vector<2048x1xf32> to vector<2048x1024xf32>
        %sub3A_51 = arith.subf %add3A_9, %sub3A_50 : vector<2048x1024xf32>
        %exp3A_52 = math.exp %sub3A_51 : vector<2048x1024xf32>
        %reduce_sum3A_53 = arith.constant dense<0.000000e+00> : vector<2048xf32>
        %reduce_sum3A_54 = vector.multi_reduction <add>, %exp3A_52, %reduce_sum3A_53 [1] : vector<2048x1024xf32> to vector<2048xf32>
        %broadcast_in_dim3A_55 = vector.shape_cast %reduce_sum3A_54 : vector<2048xf32> to vector<2048x1xf32>
        %add3A_56 = arith.addf %mul3A_49, %broadcast_in_dim3A_55 : vector<2048x1xf32>
        %swap3A_57 = arith.constant 0 : index
        %swap3A_58 = arith.constant 0 : index
        %swap3A_59 = vector.load %arg8[%swap3A_57, %swap3A_58] : memref<2048x1xf32, #tpu.memory_space<vmem>>, vector<2048x1xf32>
        tpu.vector_store %arg8[%swap3A_57, %swap3A_58], %add3A_56 {strides = array<i32>} : memref<2048x1xf32, #tpu.memory_space<vmem>>, vector<2048x1xf32>,
        %swap3A_60 = arith.constant 0 : index
        %swap3A_61 = arith.constant 0 : index
        %swap3A_62 = vector.load %arg7[%swap3A_60, %swap3A_61] : memref<2048x1xf32, #tpu.memory_space<vmem>>, vector<2048x1xf32>
        tpu.vector_store %arg7[%swap3A_60, %swap3A_61], %max3A {strides = array<i32>} : memref<2048x1xf32, #tpu.memory_space<vmem>>, vector<2048x1xf32>,
        %get3A_63 = arith.constant 0 : index
        %get3A_64 = arith.constant 0 : index
        %get3A_65 = vector.load %arg9[%get3A_63, %get3A_64] : memref<2048x1xf32, #tpu.memory_space<vmem>>, vector<2048x1xf32>
        %add3A_66 = arith.addf %get3A_65, %broadcast_in_dim3A_19 : vector<2048x1xf32>
        %swap3A_67 = arith.constant 0 : index
        %swap3A_68 = arith.constant 0 : index
        %swap3A_69 = vector.load %arg9[%swap3A_67, %swap3A_68] : memref<2048x1xf32, #tpu.memory_space<vmem>>, vector<2048x1xf32>
        tpu.vector_store %arg9[%swap3A_67, %swap3A_68], %add3A_66 {strides = array<i32>} : memref<2048x1xf32, #tpu.memory_space<vmem>>, vector<2048x1xf32>,
      } else {
      }
    } else {
    }
    %eq3A_23 = arith.constant 49 : i32
    %eq3A_24 = arith.cmpi eq, %arg0, %eq3A_23 : i32
    %convert_element_type3A_25 = arith.extui %eq3A_24 : i1 to i32
    %cond3A_26 = arith.constant 0 : i32
    %cond3A_27 = arith.cmpi ne, %convert_element_type3A_25, %cond3A_26 : i32
    scf.if %cond3A_27 {
      %mul3A_28 = arith.constant 1024 : i32
      %mul3A_29 = arith.muli %arg0, %mul3A_28 : i32
      %sub3A_30 = arith.constant 50265 : i32
      %sub3A_31 = arith.subi %sub3A_30, %mul3A_29 : i32
      %lt3A_32 = vector.broadcast %sub3A_31 : i32 to vector<2048x1024xi32>
      %lt3A_33 = arith.cmpi slt, %iota3A, %lt3A_32 : vector<2048x1024xi32>
      %jit3A_34 = arith.constant -1.000000e+30 : f32
      %broadcast_in_dim3A_35 = vector.broadcast %jit3A_34 : f32 to vector<2048x1024xf32>
      %select_n3A_36 = arith.select %lt3A_33, %add3A_9, %broadcast_in_dim3A_35 : vector<2048x1024xi1>, vector<2048x1024xf32>
      %reduce_max3A = arith.constant dense<0xFF800000> : vector<2048xf32>
      %reduce_max3A_37 = vector.multi_reduction <maximumf>, %select_n3A_36, %reduce_max3A [1] : vector<2048x1024xf32> to vector<2048xf32>
      %broadcast_in_dim3A_38 = vector.shape_cast %reduce_max3A_37 : vector<2048xf32> to vector<2048x1xf32>
      %eq3A_39 = arith.constant 0 : i32
      %eq3A_40 = arith.cmpi eq, %arg0, %eq3A_39 : i32
      %convert_element_type3A_41 = arith.extui %eq3A_40 : i1 to i32
      %cond3A_42 = arith.constant 0 : i32
      %cond3A_43 = arith.cmpi ne, %convert_element_type3A_41, %cond3A_42 : i32
      scf.if %cond3A_43 {
        %swap3A_67 = arith.constant 0 : index
        %swap3A_68 = arith.constant 0 : index
        %swap3A_69 = vector.load %arg7[%swap3A_67, %swap3A_68] : memref<2048x1xf32, #tpu.memory_space<vmem>>, vector<2048x1xf32>
        tpu.vector_store %arg7[%swap3A_67, %swap3A_68], %broadcast_in_dim3A_38 {strides = array<i32>} : memref<2048x1xf32, #tpu.memory_space<vmem>>, vector<2048x1xf32>,
        %sub3A_70 = vector.broadcast %broadcast_in_dim3A_38 : vector<2048x1xf32> to vector<2048x1024xf32>
        %sub3A_71 = arith.subf %select_n3A_36, %sub3A_70 : vector<2048x1024xf32>
        %exp3A = math.exp %sub3A_71 : vector<2048x1024xf32>
        %reduce_sum3A_72 = arith.constant dense<0.000000e+00> : vector<2048xf32>
        %reduce_sum3A_73 = vector.multi_reduction <add>, %exp3A, %reduce_sum3A_72 [1] : vector<2048x1024xf32> to vector<2048xf32>
        %broadcast_in_dim3A_74 = vector.shape_cast %reduce_sum3A_73 : vector<2048xf32> to vector<2048x1xf32>
        %swap3A_75 = arith.constant 0 : index
        %swap3A_76 = arith.constant 0 : index
        %swap3A_77 = vector.load %arg8[%swap3A_75, %swap3A_76] : memref<2048x1xf32, #tpu.memory_space<vmem>>, vector<2048x1xf32>
        tpu.vector_store %arg8[%swap3A_75, %swap3A_76], %broadcast_in_dim3A_74 {strides = array<i32>} : memref<2048x1xf32, #tpu.memory_space<vmem>>, vector<2048x1xf32>,
        %swap3A_78 = arith.constant 0 : index
        %swap3A_79 = arith.constant 0 : index
        %swap3A_80 = vector.load %arg9[%swap3A_78, %swap3A_79] : memref<2048x1xf32, #tpu.memory_space<vmem>>, vector<2048x1xf32>
        tpu.vector_store %arg9[%swap3A_78, %swap3A_79], %broadcast_in_dim3A_19 {strides = array<i32>} : memref<2048x1xf32, #tpu.memory_space<vmem>>, vector<2048x1xf32>,
      } else {
      }
      %gt3A = arith.constant 0 : i32
      %gt3A_44 = arith.cmpi sgt, %arg0, %gt3A : i32
      %convert_element_type3A_45 = arith.extui %gt3A_44 : i1 to i32
      %cond3A_46 = arith.constant 0 : i32
      %cond3A_47 = arith.cmpi ne, %convert_element_type3A_45, %cond3A_46 : i32
      scf.if %cond3A_47 {
        %get3A_67 = arith.constant 0 : index
        %get3A_68 = arith.constant 0 : index
        %get3A_69 = vector.load %arg7[%get3A_67, %get3A_68] : memref<2048x1xf32, #tpu.memory_space<vmem>>, vector<2048x1xf32>
        %max3A = arith.maximumf %get3A_69, %broadcast_in_dim3A_38 : vector<2048x1xf32>
        %get3A_70 = arith.constant 0 : index
        %get3A_71 = arith.constant 0 : index
        %get3A_72 = vector.load %arg8[%get3A_70, %get3A_71] : memref<2048x1xf32, #tpu.memory_space<vmem>>, vector<2048x1xf32>
        %get3A_73 = arith.constant 0 : index
        %get3A_74 = arith.constant 0 : index
        %get3A_75 = vector.load %arg7[%get3A_73, %get3A_74] : memref<2048x1xf32, #tpu.memory_space<vmem>>, vector<2048x1xf32>
        %sub3A_76 = arith.subf %get3A_75, %max3A : vector<2048x1xf32>
        %exp3A = math.exp %sub3A_76 : vector<2048x1xf32>
        %mul3A_77 = arith.mulf %get3A_72, %exp3A : vector<2048x1xf32>
        %sub3A_78 = vector.broadcast %max3A : vector<2048x1xf32> to vector<2048x1024xf32>
        %sub3A_79 = arith.subf %select_n3A_36, %sub3A_78 : vector<2048x1024xf32>
        %exp3A_80 = math.exp %sub3A_79 : vector<2048x1024xf32>
        %reduce_sum3A_81 = arith.constant dense<0.000000e+00> : vector<2048xf32>
        %reduce_sum3A_82 = vector.multi_reduction <add>, %exp3A_80, %reduce_sum3A_81 [1] : vector<2048x1024xf32> to vector<2048xf32>
        %broadcast_in_dim3A_83 = vector.shape_cast %reduce_sum3A_82 : vector<2048xf32> to vector<2048x1xf32>
        %add3A_84 = arith.addf %mul3A_77, %broadcast_in_dim3A_83 : vector<2048x1xf32>
        %swap3A_85 = arith.constant 0 : index
        %swap3A_86 = arith.constant 0 : index
        %swap3A_87 = vector.load %arg8[%swap3A_85, %swap3A_86] : memref<2048x1xf32, #tpu.memory_space<vmem>>, vector<2048x1xf32>
        tpu.vector_store %arg8[%swap3A_85, %swap3A_86], %add3A_84 {strides = array<i32>} : memref<2048x1xf32, #tpu.memory_space<vmem>>, vector<2048x1xf32>,
        %swap3A_88 = arith.constant 0 : index
        %swap3A_89 = arith.constant 0 : index
        %swap3A_90 = vector.load %arg7[%swap3A_88, %swap3A_89] : memref<2048x1xf32, #tpu.memory_space<vmem>>, vector<2048x1xf32>
        tpu.vector_store %arg7[%swap3A_88, %swap3A_89], %max3A {strides = array<i32>} : memref<2048x1xf32, #tpu.memory_space<vmem>>, vector<2048x1xf32>,
        %get3A_91 = arith.constant 0 : index
        %get3A_92 = arith.constant 0 : index
        %get3A_93 = vector.load %arg9[%get3A_91, %get3A_92] : memref<2048x1xf32, #tpu.memory_space<vmem>>, vector<2048x1xf32>
        %add3A_94 = arith.addf %get3A_93, %broadcast_in_dim3A_19 : vector<2048x1xf32>
        %swap3A_95 = arith.constant 0 : index
        %swap3A_96 = arith.constant 0 : index
        %swap3A_97 = vector.load %arg9[%swap3A_95, %swap3A_96] : memref<2048x1xf32, #tpu.memory_space<vmem>>, vector<2048x1xf32>
        tpu.vector_store %arg9[%swap3A_95, %swap3A_96], %add3A_94 {strides = array<i32>} : memref<2048x1xf32, #tpu.memory_space<vmem>>, vector<2048x1xf32>,
      } else {
      }
      %get3A_48 = arith.constant 0 : index
      %get3A_49 = arith.constant 0 : index
      %get3A_50 = vector.load %arg7[%get3A_48, %get3A_49] : memref<2048x1xf32, #tpu.memory_space<vmem>>, vector<2048x1xf32>
      %get3A_51 = arith.constant 0 : index
      %get3A_52 = arith.constant 0 : index
      %get3A_53 = vector.load %arg8[%get3A_51, %get3A_52] : memref<2048x1xf32, #tpu.memory_space<vmem>>, vector<2048x1xf32>
      %log3A = math.log %get3A_53 : vector<2048x1xf32>
      %add3A_54 = arith.addf %get3A_50, %log3A : vector<2048x1xf32>
      %get3A_55 = arith.constant 0 : index
      %get3A_56 = arith.constant 0 : index
      %get3A_57 = vector.load %arg9[%get3A_55, %get3A_56] : memref<2048x1xf32, #tpu.memory_space<vmem>>, vector<2048x1xf32>
      %sub3A_58 = arith.subf %add3A_54, %get3A_57 : vector<2048x1xf32>
      %reduce_sum3A_59 = arith.constant dense<0.000000e+00> : vector<1xf32>
      %reduce_sum3A_60 = vector.multi_reduction <add>, %sub3A_58, %reduce_sum3A_59 [0] : vector<2048x1xf32> to vector<1xf32>
      %broadcast_in_dim3A_61 = vector.shape_cast %reduce_sum3A_60 : vector<1xf32> to vector<1x1xf32>
      %div3A = arith.constant 2.048000e+03 : f32
      %div3A_62 = vector.broadcast %div3A : f32 to vector<1x1xf32>
      %div3A_63 = arith.divf %broadcast_in_dim3A_61, %div3A_62 : vector<1x1xf32>
      %swap3A_64 = arith.constant 0 : index
      %swap3A_65 = arith.constant 0 : index
      %swap3A_66 = vector.load %arg6[%swap3A_64, %swap3A_65] : memref<1x1xf32, #tpu.memory_space<vmem>>, vector<1x1xf32>
      tpu.vector_store %arg6[%swap3A_64, %swap3A_65], %div3A_63 {strides = array<i32>} : memref<1x1xf32, #tpu.memory_space<vmem>>, vector<1x1xf32>,
    } else {
    }
    return
  }
  func.func @transform_0(%arg0: i32) -> (i32, i32) {
    %c0_i32 = arith.constant 0 : i32
    %c0_i32_0 = arith.constant 0 : i32
    %c0_i32_1 = arith.constant 0 : i32
    return %c0_i32, %c0_i32_0 : i32, i32
  }
  func.func @transform_1(%arg0: i32) -> (i32, i32) {
    %c0_i32 = arith.constant 0 : i32
    %c0_i32_0 = arith.constant 0 : i32
    return %c0_i32, %arg0 : i32, i32
  }
  func.func @transform_2(%arg0: i32) -> (i32, i32) {
    %c0_i32 = arith.constant 0 : i32
    %c0_i32_0 = arith.constant 0 : i32
    return %c0_i32, %arg0 : i32, i32
  }
  func.func @transform_3(%arg0: i32) -> (i32, i32) {
    %c0_i32 = arith.constant 0 : i32
    %c0_i32_0 = arith.constant 0 : i32
    %c0_i32_1 = arith.constant 0 : i32
    return %c0_i32, %c0_i32_0 : i32, i32
  }
  func.func @transform_4(%arg0: i32) -> (i32, i32) {
    %c0_i32 = arith.constant 0 : i32
    %c0_i32_0 = arith.constant 0 : i32
    return %c0_i32, %arg0 : i32, i32
  }
  func.func @transform_5(%arg0: i32) -> (i32, i32) {
    %c0_i32 = arith.constant 0 : i32
    %c0_i32_0 = arith.constant 0 : i32
    %c0_i32_1 = arith.constant 0 : i32
    return %c0_i32, %c0_i32_0 : i32, i32
  }
}

</mosaic_0001>

<sc_bundles>
// kernel: kernel.7.cloned.1.call-start
scs
__scs_entry_jumppad:
0x0: {  	(pc) =	sbr.rel $0x88, $3  }
0x1: {  	(tag) =	ssettag $0x0;
	lr =	simm.s32 $0x1  }
0x2: {  	[smem:$0x3F8E] =	sst lr;
	_ =	strace $0xD0000000  }
0x3: {  	_ = 	snop  }
0x4: {  	_ = 	snop  }
0x5: {  	_ = 	snop  }
0x6: {  	_ = 	snop  }
0x7: {  	_ = 	snop  }
__scs_overlays_trampoline_lowered:
0x8: {  	[smem:$0x3F9D] =	sst s0  }
0x9: {  	[smem:$0x3F9E] =	sst s1  }
0xa: {  	[smem:$0x3F9F] =	sst s2  }
0xb: {  	[smem:$0x3FA0] =	sst s3  }
0xc: {  	[smem:$0x3FA1] =	sst s4  }
0xd: {  	[smem:$0x3FA2] =	sst s5  }
0xe: {  	[smem:$0x3FA3] =	sst s6  }
0xf: {  	[smem:$0x3FA4] =	sst s7  }
0x10: {  	[smem:$0x3FA5] =	sst s8  }
0x11: {  	[smem:$0x3FA6] =	sst s9;
	s0 =	simm.s32 @!p0 $0x0  }
0x12: {  	s1 =	sld [smem:$0x3F8C];
	s0 =	simm.s32 @p0 $0x1  }
0x13: {  	[smem:$0x3FA7] =	sst s0;
	s0 =	simm.s32 @!p1 $0x0  }
0x14: {  	s2 =	sld [smem:$0x3F8B];
	s0 =	simm.s32 @p1 $0x1  }
0x15: {  	[smem:$0x3FA8] =	sst s0;
	s0 =	simm.s32 @!p2 $0x0  }
0x16: {  	s3 =	sld [smem:$0x3FDB];
	s0 =	simm.s32 @p2 $0x1  }
0x17: {  	s4 =	simm.s32 $0x1BF5;
	[smem:$0x3FAA] =	sst s0  }
0x18: {  	s0 =	sld [smem:$0x3F8D];
	_ =	swait.ge [sflag:s4], $0x0  }
0x19: {  	s7 =	sld [smem:$0x3F8E]  }
0x1a: {  	s8 =	sadd.s32 $0xFFFFE003, lr  }
0x1b: {  	s9 =	sadd.s32 $0xFFFFFEF7, lr;
	s5 =	simm.s32 $0xFFFFFFFF;
	p2 =	slt.u32 s8, $0xFFFFF086  }
0x1c: {  	p1 =	slt.u32 s9, $0xF7A;
	s5 =	simm.s32 @!p2 $0x0  }
0x1d: {  	s5 =	simm.s32 @p1 $0x1;
	p0 =	seq.s32 s7, s2  }
0x1e: {  	s7 =	smul.u32 @!p0 $0xF7A, s2;
	p2 =	seq.s32 @!p0 s5, $0x0  }
0x1f: {  	s9 =	smul.u32 $0xF7A, s1;
	s8 =	simm.s32 @!p0 $0x1BF5;
	p2 =	por !p2, p0  }
0x20: {  	[sflag:s8] =	ssyncset.s32 @!p0 $0xFFFFF086;
	s6 =	sadd.s32 @!p0 s3, s7;
	s7 =	simm.s32 @!p0 $0x108  }
0x21: {  	s3 =	sadd.s32 s3, s9;
	s6 =	sadd.s32 @!p0 $0x88, s6;
	s7 =	simm.s32 @p2 $0x1082  }
0x22: {  	[simem:s7], [sflag:s8] =	dma.local @!p0 [hbm:s6], $0xF7A  }
0x23: {  	s9 =	sor.u32 $0xD0000000, s2;
	s6 =	simm.s32 $0x108;
	_ =	swait.ge @!p0 [sflag:s8], $0x0  }
0x24: {  	s3 =	sadd.s32 $0x88, s3;
	s6 =	simm.s32 @!p1 $0x1082;
	[sflag:s4] =	ssyncset.s32 $0xFFFFF086  }
0x25: {  	[simem:s6], [sflag:s4] =	dma.local [hbm:s3], $0xF7A  }
0x26: {  	[smem:$0x3F8E] =	sst s1;
	(tag) =	ssettag s2;
	_ =	strace s9  }
0x27: {  	s1 =	sld [smem:$0x3F9E]  }
0x28: {  	s2 =	sld [smem:$0x3F9F]  }
0x29: {  	s4 =	sld [smem:$0x3FA1]  }
0x2a: {  	p0 =	seq.s32 s5, $0x0;
	s5 =	sld [smem:$0x3FA2]  }
0x2b: {  	s6 =	sld [smem:$0x3FA3]  }
0x2c: {  	s7 =	sld [smem:$0x3FA4]  }
0x2d: {  	s3 =	simm.s32 $0x108;
	s8 =	sld [smem:$0x3FA5]  }
0x2e: {  	s3 =	simm.s32 @!p0 $0x1082;
	s9 =	sld [smem:$0x3FA6]  }
0x2f: {  	lr =	sadd.s32 s0, s3;
	s0 =	sld [smem:$0x3F9D]  }
0x30: {  	s3 =	sld [smem:$0x3FA0]  }
0x31: {  	[smem:$0x3FA9] =	sst s10  }
0x32: {  	s10 =	sld [smem:$0x3FA7];
	_ =	sdelay $0x3  }
0x33: {  	p0 =	seq.s32 s10, $0x1;
	s10 =	sld [smem:$0x3FA9];
	_ =	sdelay $0x3  }
0x34: {  	[smem:$0x3FA9] =	sst s10  }
0x35: {  	s10 =	sld [smem:$0x3FA8];
	_ =	sdelay $0x3  }
0x36: {  	p1 =	seq.s32 s10, $0x1;
	s10 =	sld [smem:$0x3FA9];
	_ =	sdelay $0x3  }
0x37: {  	[smem:$0x3FA9] =	sst s10  }
0x38: {  	s10 =	sld [smem:$0x3FAA]  }
0x39: {  	_ = 	snop;
	(pc) =	sbr.ind lr, $3  }
0x3a: {  	_ = 	snop  }
0x3b: {  	_ = 	snop  }
0x3c: {  	p2 =	seq.s32 s10, $0x1;
	s10 =	sld [smem:$0x3FA9]  }
0x3d: {  	_ =	shalt  }
0x3e: {  	_ =	shalt  }
0x3f: {  	_ =	shalt  }
0x40: {  	_ =	shalt  }
0x41: {  	_ =	shalt  }
0x42: {  	_ =	shalt  }
0x43: {  	_ =	shalt  }
0x44: {  	_ =	shalt  }
0x45: {  	_ =	shalt  }
0x46: {  	_ =	shalt  }
0x47: {  	_ =	shalt  }
0x48: {  	_ =	shalt  }
0x49: {  	_ =	shalt  }
0x4a: {  	_ =	shalt  }
0x4b: {  	_ =	shalt  }
0x4c: {  	_ =	shalt  }
0x4d: {  	_ =	shalt  }
0x4e: {  	_ =	shalt  }
0x4f: {  	_ =	shalt  }
0x50: {  	_ =	shalt  }
0x51: {  	_ =	shalt  }
0x52: {  	_ =	shalt  }
0x53: {  	_ =	shalt  }
0x54: {  	_ =	shalt  }
0x55: {  	_ =	shalt  }
0x56: {  	_ =	shalt  }
0x57: {  	_ =	shalt  }
0x58: {  	_ =	shalt  }
0x59: {  	_ =	shalt  }
0x5a: {  	_ =	shalt  }
0x5b: {  	_ =	shalt  }
0x5c: {  	_ =	shalt  }
0x5d: {  	_ =	shalt  }
0x5e: {  	_ =	shalt  }
0x5f: {  	_ =	shalt  }
0x60: {  	_ =	shalt  }
0x61: {  	_ =	shalt  }
0x62: {  	_ =	shalt  }
0x63: {  	_ =	shalt  }
0x64: {  	_ =	shalt  }
0x65: {  	_ =	shalt  }
0x66: {  	_ =	shalt  }
0x67: {  	_ =	shalt  }
0x68: {  	_ =	shalt  }
0x69: {  	_ =	shalt  }
0x6a: {  	_ =	shalt  }
0x6b: {  	_ =	shalt  }
0x6c: {  	_ =	shalt  }
0x6d: {  	_ =	shalt  }
0x6e: {  	_ =	shalt  }
0x6f: {  	_ =	shalt  }
0x70: {  	_ =	shalt  }
0x71: {  	_ =	shalt  }
0x72: {  	_ =	shalt  }
0x73: {  	_ =	shalt  }
0x74: {  	_ =	shalt  }
0x75: {  	_ =	shalt  }
0x76: {  	_ =	shalt  }
0x77: {  	_ =	shalt  }
0x78: {  	_ =	shalt  }
0x79: {  	_ =	shalt  }
0x7a: {  	_ =	shalt  }
0x7b: {  	_ =	shalt  }
0x7c: {  	_ =	shalt  }
0x7d: {  	_ =	shalt  }
0x7e: {  	_ =	shalt  }
0x7f: {  	_ =	shalt  }
0x80: {  	_ =	shalt  }
0x81: {  	_ =	shalt  }
0x82: {  	_ =	shalt  }
0x83: {  	_ =	shalt  }
0x84: {  	_ =	shalt  }
0x85: {  	_ =	shalt  }
0x86: {  	_ =	shalt  }
0x87: {  	_ =	shalt  }
.Lfunc_end0:
.L_simem_size_0:
called_computation.1_lowered:
.L_overlay_start_0:
0x88: {  	s2 =	sld [smem:$0x3FD9]  }
0x89: {  	s3 =	sld [smem:$0x3FFE];
	_ =	sdelay $0x1  }
0x8a: {  	s1 =	srdreg.scid  }
0x8b: {  	s0 =	sand.u32 $0x1, s1  }
0x8c: {  	s17 =	sshll.u32 s0, $0xA;
	s2 =	sadd.s32 s3, s2  }
0x8d: {  	s2 =	sadd.s32 s2, s17  }
0x8e: {  	[smem:$0x3FB5] =	sst s2  }
0x8f: {  	_ = 	snop  }
0x90: {  	s2 =	sld [smem:$0x3FC9]  }
0x91: {  	s18 =	sld [smem:$0x3FC7];
	(tm) =	ssettm $0x1  }
0x92: {  	s4 =	sld [smem:$0x3FFB];
	_ =	sdelay $0x3  }
0x93: {  	_ =	strace s4  }
0x94: {  	s4 =	sld [smem:$0x3FFC];
	_ =	sdelay $0x3  }
0x95: {  	_ =	strace s4  }
0x96: {  	s4 =	sld [smem:$0x3FFD];
	_ =	sdelay $0x3  }
0x97: {  	_ =	strace s4  }
0x98: {  	_ =	strace $0x8FFFFFFF  }
0x99: {  	s19 =	sld [smem:$0x3FDB];
	_ =	sdelay $0x1  }
0x9a: {  	s5 =	simm.s32 $_scs_section_size  }
0x9b: {  	s6 =	simm.s32 $_size__tile_overlayer_lowered;
	s7 =	simm.s32 $_tile_overlayer_lowered  }
0x9c: {  	s22 =	simm.s32 $0x1BFF;
	s21 =	sshll.u32 s7, $0x1;
	s4 =	sadd.s32 s5, s19  }
0x9d: {  	s8 =	simm.s32 $0x0;
	s20 =	sshll.u32 s6, $0x1;
	s6 =	sadd.s32 s21, s4  }
0x9e: {  	[timem:s8], [sflag:s22] =	dma.local [hbm:s6], s20  }
0x9f: {  	_ =	swait.ge [sflag:s22], s20  }
0xa0: {  	s5 =	ssub.s32 $0x0, s20;
	[sflag:s22] =	ssyncset.done $0x0  }
0xa1: {  	[sflag:s22] =	ssyncadd.s32 s5;
	_ =	sdelay $0x1  }
0xa2: {  	s23 =	simm.s32 $0x1B8B  }
0xa3: {  	_ =	swait.ge [sflag:s23], $0x1  }
0xa4: {  	[sflag:s23] =	ssyncset.done $0x0  }
0xa5: {  	s25 =	simm.s32 $0x1B8E;
	s24 =	sld [smem:$0x3FFE];
	[sflag:s23] =	ssyncadd.s32 $0xFFFFFFFF  }
0xa6: {  	s26 =	simm.s32 $execute0_lowered;
	[smem:$0x3FD2] =	sst s25  }
0xa7: {  	s6 =	sshll.u32 s26, $0x1;
	_ =	strace $0x80000046;
	[dreg:$0x1] =	wrdreg $0xFFFFFFFF  }
0xa8: {  	s28 =	simm.s32 $_size_execute0_lowered;
	s4 =	sadd.s32 s4, s6;
	[dreg:$0x0] =	wrdreg $0x0  }
0xa9: {  	s6 =	sshll.u32 s28, $0x1;
	[dreg:$0x2] =	wrdreg s4  }
0xaa: {  	[dreg:$0x3] =	wrdreg s6  }
0xab: {  	[dreg:$0x4] =	wrdreg $0xC0  }
0xac: {  	_ =	task [dreg:s8], $0x5FFFF  }
0xad: {  	[dreg:$0x1] =	wrdreg $0xFFFFFFFF  }
0xae: {  	[dreg:$0x0] =	wrdreg $0x60  }
0xaf: {  	[dreg:$0x2] =	wrdreg s2  }
0xb0: {  	[dreg:$0x3] =	wrdreg s18  }
0xb1: {  	[dreg:$0x4] =	wrdreg s24  }
0xb2: {  	[dreg:$0x5] =	wrdreg $0x9  }
0xb3: {  	_ =	task.clear_ibuf [dreg:s8], $0x6FFFF;
	_ =	strace $0x90000046  }
0xb4: {  	s29 =	simm.s32 $0x9;
	_ =	strace $0x80000048  }
0xb5: {  	_ =	swait.ge [sflag:s29], $0x1  }
0xb6: {  	[sflag:s29] =	ssyncadd.s32 $0xFFFFFFFF  }
0xb7: {  	_ =	strace $0x90000048  }
0xb8: {  	_ =	sfence  }
0xb9: {  	s30 =	sld [smem:$0x0];
	_ =	sdelay $0x2  }
0xba: {  	s31 =	sshll.u32 s1, $0xD;
	s1 =	sshrl.u32 s1, $0x2  }
0xbb: {  	s3 =	sand.u32 $0x4000, s31;
	s1 =	sadd.s32 s1, s30  }
0xbc: {  	s0 =	sor.u32 s3, s0;
	s1 =	sshll.u32 s1, $0x11  }
0xbd: {  	s0 =	sor.u32 s1, s0  }
0xbe: {  	s0 =	sadd.s32 $0x8F2B, s0  }
0xbf: {  	[sflag:s0] =	ssyncadd.remote.s32 $0x1  }
0xc0: {  	_ =	sfence.sel $0xFFFF  }
0xc1: {  	[dreg:$0x0] =	wrdreg $0xFFFFFFFF;
	(pc) =	sbr.abs _section_cstart, $3  }
0xc2: {  	[dreg:$0x1] =	wrdreg $0xFFFFFFFF  }
0xc3: {  	_ =	task.clear_ibuf [dreg:s8], $0x2FFFF;
	_ =	strace $0x9FFFFFFF  }
0xc4: {  	(tm) =	ssettm $0x7FFFFFFF  }
0xc5: {  	_ =	shalt  }
tec
execute0_lowered:
.L_overlay_start_1:
0x0: {  	(tag) =	ssettag $0x1  }
0x1: {  	s1 =	rddreg [dreg:$0x0]  }
0x2: {  	s3 =	srdreg.scid;
	s2 =	rddreg [dreg:$0x1]  }
0x3: {  	s0 =	stileid.u32;
	s5 =	rddreg [dreg:$0x2];
	s15 =	simm.s32 $0x880  }
0x4: {  	s16 =	simm.s32 $0x1080;
	s17 =	simm.s32 $0x1880;
	s19 =	simm.s32 $0x2080  }
0x5: {  	s21 =	simm.s32 $0x2880;
	s4 =	sand.u32 $0x1, s3;
	s3 =	simm.s32 $0x0  }
0x6: {  	s22 =	simm.s32 $0x3080;
	s23 =	simm.s32 $0x3880;
	[smem:$0x7FF] =	sst s3  }
0x7: {  	s24 =	simm.s32 $0x4080;
	_ =	strace $0x80000047;
	[dreg:$0x6] =	wrdreg s15  }
0x8: {  	s25 =	simm.s32 $0x4880;
	s8 =	simm.s32 $0x2;
	[dreg:$0x7] =	wrdreg s16  }
0x9: {  	s26 =	simm.s32 $0x5080;
	s9 =	simm.s32 $0x80;
	[dreg:$0x8] =	wrdreg s17  }
0xa: {  	s11 =	simm.s32 $0x6080;
	s12 =	simm.s32 $0x6880;
	[dreg:$0x9] =	wrdreg s19  }
0xb: {  	s13 =	simm.s32 $0x7080;
	s28 =	simm.s32 $0xE080;
	[dreg:$0xa] =	wrdreg s21  }
0xc: {  	s29 =	simm.s32 $0xE880;
	s30 =	simm.s32 $0xF080;
	[dreg:$0xb] =	wrdreg s22  }
0xd: {  	s31 =	simm.s32 $0xF880;
	s6 =	sshll.u32 s0, $0x7;
	[dreg:$0xc] =	wrdreg s23  }
0xe: {  	s7 =	sshll.u32 s4, $0x6;
	s4 =	ssub.s32 $0x2, s4;
	[dreg:$0xd] =	wrdreg s24  }
0xf: {  	s6 =	sor.u32 s7, s6;
	s18 =	sshrl.u32 s4, $0x1;
	[dreg:$0xe] =	wrdreg s25  }
0x10: {  	[dreg:$0xf] =	wrdreg s26;
	s15 =	simm.s32 $0x8080;
	s16 =	simm.s32 $0x8880  }
0x11: {  	s17 =	simm.s32 $0x9080;
	s19 =	simm.s32 $0xA080;
	s21 =	simm.s32 $0xB080  }
0x12: {  	s22 =	simm.s32 $0xB880;
	s23 =	simm.s32 $0xC080;
	s24 =	simm.s32 $0xC880  }
0x13: {  	s25 =	simm.s32 $0xD080;
	s26 =	simm.s32 $0xD880;
	s7 =	sshll.u32 s6, $0x7  }
0x14: {  	s6 =	sshrl.u32 s6, $0x3;
	s20 =	ssub.s32 s4, s18;
	s4 =	sadd.s32 $0x100, s2  }
0x15: {  	s18 =	simm.s32 $0x9880;
	s5 =	sadd.s32 s7, s5;
	s1 =	sadd.s32 s1, s6  }
0x16: {  	v2 =	vlaneseq.u32;
	s6 =	sadd.s32 $0x300, s2;
	s7 =	smax.u32 s20, $0x1;
	s20 =	simm.s32 $0xA880  }
0x17: {  	vm0 =	vmmov $0xffff;
	v1 =	vshrl.u32 v2, $0x3;
	[dreg:$0x4] =	wrdreg s1;
	s14 =	sadd.s32 $0x2600, s5;
	s5 =	sadd.s32 $0x200, s2  }
0x18: {  	v0 =	vand.u32 $0x7, v2;
	v2 =	vor.u32 $0x8, v2;
	v1 =	vmul.u32 $0x8, v1;
	s1 =	simm.s32 $0x1;
	[dreg:$0x5] =	wrdreg s14;
	s14 =	simm.s32 $0x7880  }
.LBB2_1:
0x19: {  	s0 =	rddreg [dreg:$0x4]  }
0x1a: {  	[tilespmem:s3], [sflag:$0x2] =	stream.linear.gather [hbm4b:s0+s3], $0x40, $0x38;
	[tilespmem:$0x10080] =	vst v63  }
0x1b: {  	_ =	swait.ge [sflag:s8], $0x40  }
0x1c: {  	[sflag:s8] =	ssyncset.done $0x0  }
0x1d: {  	[sflag:s8] =	ssyncadd.s32 $0xFFFFFFC0  }
0x1e: {  	v3 =	vld [tilespmem:$0x0];
	_ =	sdelay $0x4  }
0x1f: {  	v4 =	vshll.u32 v3, $0x3  }
0x20: {  	v3 =	vand.u32 $0x7, v3;
	v4 =	vand.u32 $0xFFFFFFC0, v4  }
0x21: {  	v3 =	vor.u32 v3, v4  }
0x22: {  	v4 =	vperm.xlane v3, v0;
	_ =	sdelay $0x1  }
0x23: {  	v4 =	vadd.s32 v1, v4;
	_ =	sdelay $0x4  }
0x24: {  	[tilespmem:s9], [sflag:$0x1] =	stream.indirect_vreg.gather [hbm4b:s2+s3], $0x80, v4, vm0, $0xb8;
	[tilespmem:$0x10080] =	vst v63  }
0x25: {  	s0 =	rddreg [dreg:$0x6];
	v3 =	vperm.xlane v3, v2  }
0x26: {  	[tilespmem:s0], [sflag:$0x1] =	stream.indirect_vreg.gather [hbm4b:s4+s3], $0x80, v4, vm0, $0xb8;
	[tilespmem:$0x10080] =	vst v63  }
0x27: {  	s10 =	rddreg [dreg:$0x7];
	v3 =	vadd.s32 v1, v3  }
0x28: {  	[tilespmem:s10], [sflag:$0x1] =	stream.indirect_vreg.gather [hbm4b:s5+s3], $0x80, v4, vm0, $0xb8;
	[tilespmem:$0x10080] =	vst v63  }
0x29: {  	s0 =	rddreg [dreg:$0x8]  }
0x2a: {  	[tilespmem:s0], [sflag:$0x1] =	stream.indirect_vreg.gather [hbm4b:s6+s3], $0x80, v4, vm0, $0xb8;
	[tilespmem:$0x10080] =	vst v63  }
0x2b: {  	s10 =	rddreg [dreg:$0x9]  }
0x2c: {  	[tilespmem:s10], [sflag:$0x1] =	stream.indirect_vreg.gather [hbm4b:s2+s3], $0x80, v3, vm0, $0xb8;
	[tilespmem:$0x10080] =	vst v63  }
0x2d: {  	s0 =	rddreg [dreg:$0xa]  }
0x2e: {  	[tilespmem:s0], [sflag:$0x1] =	stream.indirect_vreg.gather [hbm4b:s4+s3], $0x80, v3, vm0, $0xb8;
	[tilespmem:$0x10080] =	vst v63  }
0x2f: {  	s10 =	rddreg [dreg:$0xb]  }
0x30: {  	[tilespmem:s10], [sflag:$0x1] =	stream.indirect_vreg.gather [hbm4b:s5+s3], $0x80, v3, vm0, $0xb8;
	[tilespmem:$0x10080] =	vst v63  }
0x31: {  	s0 =	rddreg [dreg:$0xc]  }
0x32: {  	[tilespmem:s0], [sflag:$0x1] =	stream.indirect_vreg.gather [hbm4b:s6+s3], $0x80, v3, vm0, $0xb8;
	[tilespmem:$0x10080] =	vst v63  }
0x33: {  	v3 =	vld [tilespmem:$0x10];
	_ =	sdelay $0x4  }
0x34: {  	v61 =	vshll.u32 v3, $0x3  }
0x35: {  	v3 =	vand.u32 $0x7, v3;
	v4 =	vand.u32 $0xFFFFFFC0, v61  }
0x36: {  	v3 =	vor.u32 v3, v4  }
0x37: {  	v4 =	vperm.xlane v3, v0;
	_ =	sdelay $0x1  }
0x38: {  	v4 =	vadd.s32 v1, v4;
	_ =	sdelay $0x3  }
0x39: {  	s0 =	rddreg [dreg:$0xd]  }
0x3a: {  	[tilespmem:s0], [sflag:$0x1] =	stream.indirect_vreg.gather [hbm4b:s2+s3], $0x80, v4, vm0, $0xb8;
	[tilespmem:$0x10080] =	vst v63  }
0x3b: {  	s10 =	rddreg [dreg:$0xe];
	v3 =	vperm.xlane v3, v2  }
0x3c: {  	[tilespmem:s10], [sflag:$0x1] =	stream.indirect_vreg.gather [hbm4b:s4+s3], $0x80, v4, vm0, $0xb8;
	[tilespmem:$0x10080] =	vst v63  }
0x3d: {  	v3 =	vadd.s32 v1, v3;
	s0 =	rddreg [dreg:$0xf]  }
0x3e: {  	[tilespmem:s0], [sflag:$0x1] =	stream.indirect_vreg.gather [hbm4b:s5+s3], $0x80, v4, vm0, $0xb8;
	[tilespmem:$0x10080] =	vst v63  }
0x3f: {  	s10 =	simm.s32 $0x5880  }
0x40: {  	[tilespmem:s10], [sflag:$0x1] =	stream.indirect_vreg.gather [hbm4b:s6+s3], $0x80, v4, vm0, $0xb8;
	[tilespmem:$0x10080] =	vst v63  }
0x41: {  	_ = 	snop  }
0x42: {  	[tilespmem:s11], [sflag:$0x1] =	stream.indirect_vreg.gather [hbm4b:s2+s3], $0x80, v3, vm0, $0xb8;
	[tilespmem:$0x10080] =	vst v63  }
0x43: {  	_ = 	snop  }
0x44: {  	[tilespmem:s12], [sflag:$0x1] =	stream.indirect_vreg.gather [hbm4b:s4+s3], $0x80, v3, vm0, $0xb8;
	[tilespmem:$0x10080] =	vst v63  }
0x45: {  	_ = 	snop  }
0x46: {  	[tilespmem:s13], [sflag:$0x1] =	stream.indirect_vreg.gather [hbm4b:s5+s3], $0x80, v3, vm0, $0xb8;
	[tilespmem:$0x10080] =	vst v63  }
0x47: {  	_ = 	snop  }
0x48: {  	[tilespmem:s14], [sflag:$0x1] =	stream.indirect_vreg.gather [hbm4b:s6+s3], $0x80, v3, vm0, $0xb8;
	[tilespmem:$0x10080] =	vst v63  }
0x49: {  	v3 =	vld [tilespmem:$0x20];
	_ =	sdelay $0x4  }
0x4a: {  	v62 =	vshll.u32 v3, $0x3  }
0x4b: {  	v3 =	vand.u32 $0x7, v3;
	v4 =	vand.u32 $0xFFFFFFC0, v62  }
0x4c: {  	v3 =	vor.u32 v3, v4  }
0x4d: {  	v4 =	vperm.xlane v3, v0;
	_ =	sdelay $0x1  }
0x4e: {  	v4 =	vadd.s32 v1, v4;
	_ =	sdelay $0x4  }
0x4f: {  	[tilespmem:s15], [sflag:$0x1] =	stream.indirect_vreg.gather [hbm4b:s2+s3], $0x80, v4, vm0, $0xb8;
	[tilespmem:$0x10080] =	vst v63  }
0x50: {  	v3 =	vperm.xlane v3, v2  }
0x51: {  	[tilespmem:s16], [sflag:$0x1] =	stream.indirect_vreg.gather [hbm4b:s4+s3], $0x80, v4, vm0, $0xb8;
	[tilespmem:$0x10080] =	vst v63  }
0x52: {  	v3 =	vadd.s32 v1, v3  }
0x53: {  	[tilespmem:s17], [sflag:$0x1] =	stream.indirect_vreg.gather [hbm4b:s5+s3], $0x80, v4, vm0, $0xb8;
	[tilespmem:$0x10080] =	vst v63  }
0x54: {  	_ = 	snop  }
0x55: {  	[tilespmem:s18], [sflag:$0x1] =	stream.indirect_vreg.gather [hbm4b:s6+s3], $0x80, v4, vm0, $0xb8;
	[tilespmem:$0x10080] =	vst v63  }
0x56: {  	_ = 	snop  }
0x57: {  	[tilespmem:s19], [sflag:$0x1] =	stream.indirect_vreg.gather [hbm4b:s2+s3], $0x80, v3, vm0, $0xb8;
	[tilespmem:$0x10080] =	vst v63  }
0x58: {  	_ = 	snop  }
0x59: {  	[tilespmem:s20], [sflag:$0x1] =	stream.indirect_vreg.gather [hbm4b:s4+s3], $0x80, v3, vm0, $0xb8;
	[tilespmem:$0x10080] =	vst v63  }
0x5a: {  	_ = 	snop  }
0x5b: {  	[tilespmem:s21], [sflag:$0x1] =	stream.indirect_vreg.gather [hbm4b:s5+s3], $0x80, v3, vm0, $0xb8;
	[tilespmem:$0x10080] =	vst v63  }
0x5c: {  	_ = 	snop  }
0x5d: {  	[tilespmem:s22], [sflag:$0x1] =	stream.indirect_vreg.gather [hbm4b:s6+s3], $0x80, v3, vm0, $0xb8;
	[tilespmem:$0x10080] =	vst v63  }
0x5e: {  	v3 =	vld [tilespmem:$0x30];
	_ =	sdelay $0x4  }
0x5f: {  	v63 =	vshll.u32 v3, $0x3  }
0x60: {  	v3 =	vand.u32 $0x7, v3;
	v4 =	vand.u32 $0xFFFFFFC0, v63  }
0x61: {  	v3 =	vor.u32 v3, v4  }
0x62: {  	v4 =	vperm.xlane v3, v0;
	_ =	sdelay $0x1  }
0x63: {  	v4 =	vadd.s32 v1, v4;
	_ =	sdelay $0x4  }
0x64: {  	[tilespmem:s23], [sflag:$0x1] =	stream.indirect_vreg.gather [hbm4b:s2+s3], $0x80, v4, vm0, $0xb8;
	[tilespmem:$0x10080] =	vst v63  }
0x65: {  	v3 =	vperm.xlane v3, v2  }
0x66: {  	[tilespmem:s24], [sflag:$0x1] =	stream.indirect_vreg.gather [hbm4b:s4+s3], $0x80, v4, vm0, $0xb8;
	[tilespmem:$0x10080] =	vst v63  }
0x67: {  	v3 =	vadd.s32 v1, v3  }
0x68: {  	[tilespmem:s25], [sflag:$0x1] =	stream.indirect_vreg.gather [hbm4b:s5+s3], $0x80, v4, vm0, $0xb8;
	[tilespmem:$0x10080] =	vst v63  }
0x69: {  	_ = 	snop  }
0x6a: {  	[tilespmem:s26], [sflag:$0x1] =	stream.indirect_vreg.gather [hbm4b:s6+s3], $0x80, v4, vm0, $0xb8;
	[tilespmem:$0x10080] =	vst v63  }
0x6b: {  	_ = 	snop  }
0x6c: {  	[tilespmem:s28], [sflag:$0x1] =	stream.indirect_vreg.gather [hbm4b:s2+s3], $0x80, v3, vm0, $0xb8;
	[tilespmem:$0x10080] =	vst v63  }
0x6d: {  	_ = 	snop  }
0x6e: {  	[tilespmem:s29], [sflag:$0x1] =	stream.indirect_vreg.gather [hbm4b:s4+s3], $0x80, v3, vm0, $0xb8;
	[tilespmem:$0x10080] =	vst v63  }
0x6f: {  	_ = 	snop  }
0x70: {  	[tilespmem:s30], [sflag:$0x1] =	stream.indirect_vreg.gather [hbm4b:s5+s3], $0x80, v3, vm0, $0xb8;
	[tilespmem:$0x10080] =	vst v63  }
0x71: {  	_ = 	snop  }
0x72: {  	[tilespmem:s31], [sflag:$0x1] =	stream.indirect_vreg.gather [hbm4b:s6+s3], $0x80, v3, vm0, $0xb8;
	[tilespmem:$0x10080] =	vst v63  }
0x73: {  	_ =	swait.ge [sflag:s1], $0x10000  }
0x74: {  	p0 =	sne.s32 s7, $0x1;
	[sflag:s1] =	ssyncset.done $0x0  }
.Ltmp0:
0x75: {  	s10 =	rddreg [dreg:$0x5];
	[sflag:s1] =	ssyncadd.s32 $0xFFFF0000;
	(pc) =	sbr.rel @p0 .LBB2_1-.Ltmp0, $4  }
0x76: {  	[hbm4b:s10+s3] =	stream.linear.scatter [tilespmem:s9], [sflag:$0x2], $0x10000, $0x38;
	[tilespmem:$0x10080] =	vst v63  }
0x77: {  	_ =	swait.ge [sflag:s8], $0x10000  }
0x78: {  	[sflag:s8] =	ssyncset.done $0x0  }
0x79: {  	s7 =	sadd.s32 $0xFFFFFFFF, s7;
	[sflag:s8] =	ssyncadd.s32 $0xFFFF0000  }
0x7a: {  	_ =	sfence.sel $0x180000  }
0x7b: {  	[bflag:$0x0] =	sbarrier.arrive $0xFFFF  }
0x7c: {  	_ =	strace $0x90000047  }
0x7d: {  	s0 =	stileid.u32;
	[bflag:$0x2] =	sbarrier.arrive $0xFFFF  }
0x7e: {  	p0 =	sne.s32 s0, $0x0;
	s0 =	rddreg [dreg:$0x3]  }
0x7f: {  	s0 =	sadd.s32 @!p0 $0x100000, s0  }
0x80: {  	[sflag:s0] =	ssyncadd.tile.s32 @!p0 $0x1;
	_ =	shalt  }
.Lfunc_end2:
_tile_overlayer_lowered:
.L_overlay_start_2:
0x81: {  	(tag) =	ssettag $0x2  }
0x82: {  	s0 =	rddreg [dreg:$0x0];
	s2 =	stileid.u32  }
0x83: {  	s1 =	rddreg [dreg:$0x1];
	p0 =	sne.s32 s2, $0x0  }
0x84: {  	s3 =	rddreg [dreg:$0x2];
	[bflag:$0x3] =	sbarrier.arrive $0xFFFF;
	s2 =	simm.s32 @!p0 $0x1C02  }
0x85: {  	[timem:s3], [sflag:s2] =	dma.local @!p0 [hbm:s0], s1  }
0x86: {  	s0 =	simm.s32 @!p0 $0x2  }
0x87: {  	_ =	swait.ge @!p0 [sflag:s0], s1  }
0x88: {  	s1 =	ssub.s32 @!p0 $0x0, s1;
	[sflag:s0] =	ssyncset.done @!p0 $0x0  }
0x89: {  	[sflag:s0] =	ssyncadd.s32 @!p0 s1  }
0x8a: {  	[bflag:$0x3] =	sbarrier.arrive $0xFFFF  }
0x8b: {  	_ =	shalt  }

// kernel: sparse-core-data-format-call.cloned.1.call-start
scs
called_computation_lowered:
.L_overlay_start_0:
0x0: {  	s2 =	sld [smem:$0x3FD9]  }
0x1: {  	s3 =	sld [smem:$0x3FFE];
	_ =	sdelay $0x1  }
0x2: {  	s1 =	srdreg.scid  }
0x3: {  	s0 =	sand.u32 $0x1, s1  }
0x4: {  	s15 =	sshll.u32 s0, $0xA;
	s2 =	sadd.s32 s3, s2  }
0x5: {  	s2 =	sadd.s32 s2, s15  }
0x6: {  	[smem:$0x3FB5] =	sst s2  }
0x7: {  	_ = 	snop  }
0x8: {  	s2 =	sld [smem:$0x3FD0];
	_ =	sdelay $0x2  }
0x9: {  	s16 =	simm.s32 $0xA;
	s4 =	simm.s32 $0x10  }
0xa: {  	[smem:s4], [sflag:s16] =	dma.local [hbm:s2], $0x1  }
0xb: {  	_ =	swait.eq [sflag:s16], $0x1  }
0xc: {  	[sflag:s16] =	ssyncset.done $0x0  }
0xd: {  	[sflag:s16] =	ssyncadd.s32 $0xFFFFFFFF  }
0xe: {  	s17 =	sld [smem:$0x11];
	(tm) =	ssettm $0x1  }
0xf: {  	s18 =	sld [smem:$0x3FFB];
	_ =	sdelay $0x3  }
0x10: {  	_ =	strace s18  }
0x11: {  	s3 =	sld [smem:$0x3FFC];
	_ =	sdelay $0x3  }
0x12: {  	_ =	strace s3  }
0x13: {  	s3 =	sld [smem:$0x3FFD];
	_ =	sdelay $0x3  }
0x14: {  	_ =	strace s3  }
0x15: {  	_ =	strace $0x8FFFFFFF  }
0x16: {  	s19 =	sld [smem:$0x3FDB];
	_ =	sdelay $0x1  }
0x17: {  	s20 =	simm.s32 $_scs_section_size  }
0x18: {  	s5 =	simm.s32 $_size__tile_overlayer_lowered;
	s6 =	simm.s32 $_tile_overlayer_lowered  }
0x19: {  	s23 =	simm.s32 $0x1BFF;
	s22 =	sshll.u32 s6, $0x1;
	s3 =	sadd.s32 s20, s19  }
0x1a: {  	s7 =	simm.s32 $0x0;
	s21 =	sshll.u32 s5, $0x1;
	s5 =	sadd.s32 s22, s3  }
0x1b: {  	[timem:s7], [sflag:s23] =	dma.local [hbm:s5], s21  }
0x1c: {  	_ =	swait.ge [sflag:s23], s21  }
0x1d: {  	s4 =	ssub.s32 $0x0, s21;
	[sflag:s23] =	ssyncset.done $0x0  }
0x1e: {  	[sflag:s23] =	ssyncadd.s32 s4;
	_ =	sdelay $0x1  }
0x1f: {  	s24 =	simm.s32 $0x1B8B  }
0x20: {  	_ =	swait.ge [sflag:s24], $0x1  }
0x21: {  	[sflag:s24] =	ssyncset.done $0x0  }
0x22: {  	s26 =	simm.s32 $0x1B8E;
	s25 =	sld [smem:$0x3FFE];
	[sflag:s24] =	ssyncadd.s32 $0xFFFFFFFF  }
0x23: {  	s27 =	simm.s32 $execute0_lowered;
	[smem:$0x3FD2] =	sst s26  }
0x24: {  	s5 =	sshll.u32 s27, $0x1;
	_ =	strace $0x80000049;
	[dreg:$0x1] =	wrdreg $0xFFFFFFFF  }
0x25: {  	s28 =	simm.s32 $_size_execute0_lowered;
	s3 =	sadd.s32 s3, s5;
	[dreg:$0x0] =	wrdreg $0x0  }
0x26: {  	s5 =	sshll.u32 s28, $0x1;
	[dreg:$0x2] =	wrdreg s3  }
0x27: {  	[dreg:$0x3] =	wrdreg s5  }
0x28: {  	[dreg:$0x4] =	wrdreg $0xC0  }
0x29: {  	_ =	task [dreg:s7], $0x5FFFF  }
0x2a: {  	[dreg:$0x1] =	wrdreg $0xFFFFFFFF  }
0x2b: {  	[dreg:$0x0] =	wrdreg $0x60  }
0x2c: {  	[dreg:$0x2] =	wrdreg s25  }
0x2d: {  	[dreg:$0x3] =	wrdreg s17  }
0x2e: {  	[dreg:$0x4] =	wrdreg $0x9  }
0x2f: {  	_ =	task.clear_ibuf [dreg:s7], $0x5FFFF;
	_ =	strace $0x90000049  }
0x30: {  	s29 =	simm.s32 $0x9;
	_ =	strace $0x8000004B  }
0x31: {  	_ =	swait.ge [sflag:s29], $0x1  }
0x32: {  	[sflag:s29] =	ssyncadd.s32 $0xFFFFFFFF  }
0x33: {  	_ =	strace $0x9000004B  }
0x34: {  	_ =	sfence  }
0x35: {  	s30 =	sld [smem:$0x0];
	_ =	sdelay $0x2  }
0x36: {  	s31 =	sshll.u32 s1, $0xD;
	s1 =	sshrl.u32 s1, $0x2  }
0x37: {  	s3 =	sand.u32 $0x4000, s31;
	s1 =	sadd.s32 s1, s30  }
0x38: {  	s0 =	sor.u32 s3, s0;
	s1 =	sshll.u32 s1, $0x11  }
0x39: {  	s0 =	sor.u32 s1, s0  }
0x3a: {  	s0 =	sadd.s32 $0x8F2B, s0  }
0x3b: {  	[sflag:s0] =	ssyncadd.remote.s32 $0x1  }
0x3c: {  	_ =	sfence.sel $0xFFFF  }
0x3d: {  	[dreg:$0x0] =	wrdreg $0xFFFFFFFF;
	(pc) =	sbr.abs _section_cstart, $3  }
0x3e: {  	[dreg:$0x1] =	wrdreg $0xFFFFFFFF  }
0x3f: {  	_ =	task.clear_ibuf [dreg:s7], $0x2FFFF;
	_ =	strace $0x9FFFFFFF  }
0x40: {  	(tm) =	ssettm $0x7FFFFFFF  }
0x41: {  	_ =	shalt  }
tec
execute0_lowered:
.L_overlay_start_1:
0x0: {  	(tag) =	ssettag $0x1  }
0x1: {  	s0 =	stileid.u32  }
0x2: {  	s2 =	srdreg.scid;
	s7 =	rddreg [dreg:$0x0]  }
0x3: {  	s3 =	rddreg [dreg:$0x1];
	s6 =	simm.s32 $0x1;
	s31 =	simm.s32 $0x2  }
0x4: {  	s16 =	simm.s32 $0x0;
	s9 =	simm.s32 $0x800;
	s15 =	simm.s32 $0x0  }
0x5: {  	s10 =	simm.s32 $0x0;
	s11 =	simm.s32 $0x0;
	s1 =	sshll.u32 s0, $0x7  }
0x6: {  	s14 =	simm.s32 $0x0;
	s2 =	sshll.u32 s2, $0x7;
	s5 =	ssub.s32 $0x800, s1  }
0x7: {  	s7 =	sadd.s32 $0x55000, s7;
	s4 =	sand.u32 $0x80, s2;
	s29 =	sand.u32 $0x780, s5  }
0x8: {  	s30 =	ssub.s32 $0xC400, s4;
	s5 =	sshrl.u32 s5, $0xB;
	p0 =	sne.s32 s29, $0x0  }
.Ltmp0:
0x9: {  	s8 =	sshrl.u32 s30, $0x8;
	s6 =	simm.s32 @!p0 $0x0;
	(pc) =	sbr.rel .LBB1_1-.Ltmp0, $4  }
0xa: {  	s2 =	rddreg [dreg:$0x2];
	s8 =	sadd.s32 $0x1, s8;
	s6 =	sadd.s32 s6, s5  }
0xb: {  	_ =	strace $0x8000004A;
	s5 =	simm.s32 $0x1;
	s6 =	smul.u32 s8, s6  }
0xc: {  	s13 =	smov.u32 s1;
	s12 =	smov.u32 s4;
	[sflag:s5] =	ssyncpa.u1 $0x0  }
0xd: {  	p0 =	por $0x0, $0x0;
	[sflag:s31] =	ssyncpa.u1 $0x0;
	s8 =	sadd.s32 $0x1, s6  }
.LBB1_4:
0xe: {  	v5 =	vld [tilespmem:s18+$0xFFFFFFD0];
	[tilespmem:s20+$0x2040 ss:$0x81] =	vst.msk $0xffff, v3  }
0xf: {  	v58 =	vld [tilespmem:s18+$0xFFFFFFE0];
	[tilespmem:s20+$0x2850 ss:$0x81] =	vst.msk $0xffff, v4;
	s21 =	sshra.s32 s21, $0x2;
	p1 =	sgt.s32 s10, $0xC3D9;
	s22 =	smov.u32 s10  }
0x10: {  	v59 =	vld [tilespmem:s18+$0xFFFFFFF0];
	[tilespmem:s20+$0x3060 ss:$0x81] =	vst.msk $0xffff, v2;
	s30 =	sshra.s32 s10, $0x1F;
	s23 =	sshra.s32 s11, $0x1F;
	s19 =	sadd.s32 s21, s19  }
0x11: {  	v60 =	vld [tilespmem:s18+$0x0];
	[tilespmem:s20+$0x0 ss:$0x81] =	vst.msk $0xffff, v1;
	s22 =	simm.s32 @!p1 $0xC3D9;
	p1 =	sgt.s32 s11, $0x780;
	s21 =	smov.u32 s11  }
0x12: {  	v61 =	vld [tilespmem:s18+$0x10];
	s31 =	sand.u32 s30, s10;
	s23 =	sand.u32 s23, s11;
	[tilespmem:s19+$0x3870 ss:$0x81] =	vst.msk $0xffff, v0;
	s21 =	simm.s32 @!p1 $0x780  }
0x13: {  	v62 =	vld [tilespmem:s18+$0x20];
	s20 =	ssub.s32 s22, s31;
	s21 =	ssub.s32 s21, s23;
	[tilespmem:s19+$0x810 ss:$0x81] =	vst.msk $0xffff, v5  }
0x14: {  	v63 =	vld [tilespmem:s18+$0xFFFFFFC0];
	s24 =	sadd.s32 $0xFFFF3C27, s20;
	s20 =	ssub.s32 $0xC459, s20;
	s25 =	sadd.s32 $0xFFFFF880, s21;
	[tilespmem:s19+$0x1020 ss:$0x81] =	vst.msk $0xffff, v58  }
0x15: {  	p1 =	sgt.s32 s24, $0x7F;
	s18 =	ssub.s32 $0x800, s21;
	[tilespmem:s19+$0x1830 ss:$0x81] =	vst.msk $0xffff, v59;
	p2 =	sgt.s32 s25, $0x7F  }
0x16: {  	s26 =	sshrl.u32 s11, $0x3;
	s20 =	simm.s32 @p1 $0x0;
	[tilespmem:s19+$0x2040 ss:$0x81] =	vst.msk $0xffff, v60;
	s18 =	simm.s32 @p2 $0x0  }
0x17: {  	s28 =	sand.u32 $0x7, s11;
	s27 =	sand.u32 $0xFF, s26;
	[tilespmem:s19+$0x2850 ss:$0x81] =	vst.msk $0xffff, v61;
	s18 =	smul.u32 s18, s20  }
0x18: {  	s29 =	sshll.u32 s10, $0x8;
	s21 =	sshll.u32 s28, $0x12;
	[tilespmem:s19+$0x3060 ss:$0x81] =	vst.msk $0xffff, v62;
	s20 =	sadd.s32 s3, s27  }
0x19: {  	[tilespmem:s19+$0x0 ss:$0x81] =	vst.msk $0xffff, v63;
	s31 =	sor.u32 $0x80, s21;
	s30 =	sadd.s32 s29, s20;
	s18 =	sand.u32 $0x3FFFFFFF, s18  }
0x1a: {  	[hbm4b:s30+s31] =	stream.strided.scatter [tilespmem:s17], [sflag:$0x2], s18, s9, s31, $0x20;
	[tilespmem:$0x10100] =	vst v63  }
.LBB1_5:
0x1b: {  	p1 =	slt.u32 s14, $0x2  }
0x1c: {  	s18 =	smov.u32 s16;
	p2 =	sgt.s32 @!p1 s16, $0xC3D9;
	s17 =	sshra.s32 @!p1 s16, $0x1F  }
0x1d: {  	p3 =	sgt.s32 @!p1 s15, $0x780;
	s19 =	sshra.s32 @!p1 s15, $0x1F;
	p2 =	por !p2, p1  }
0x1e: {  	s16 =	sand.u32 @!p1 s17, s16;
	p3 =	por !p3, p1;
	s17 =	smov.u32 s15  }
0x1f: {  	s15 =	sand.u32 @!p1 s19, s15;
	s18 =	simm.s32 @p2 $0xC3D9;
	s17 =	simm.s32 @p3 $0x780  }
0x20: {  	s16 =	ssub.s32 @!p1 s18, s16;
	s15 =	ssub.s32 @!p1 s17, s15  }
0x21: {  	s19 =	smov.u32 s13;
	s17 =	sadd.s32 @!p1 $0xFFFF3C27, s16;
	s18 =	sadd.s32 @!p1 $0xFFFFF880, s15  }
0x22: {  	s16 =	ssub.s32 @!p1 $0xC459, s16;
	p2 =	sgt.s32 @!p1 s17, $0x7F;
	p3 =	sgt.s32 @!p1 s18, $0x7F  }
0x23: {  	s15 =	ssub.s32 @!p1 $0x800, s15;
	p2 =	por !p2, p1;
	p3 =	por !p3, p1  }
0x24: {  	s17 =	sadd.s32 $0x100, s12;
	s16 =	simm.s32 @!p2 $0x0;
	s15 =	simm.s32 @!p3 $0x0  }
0x25: {  	p2 =	sgt.s32 s17, $0xC458;
	s15 =	smul.u32 @!p1 s15, s16;
	s16 =	sadd.s32 $0x800, s13  }
0x26: {  	s19 =	smov.u32 @p2 s16  }
0x27: {  	s17 =	smov.u32 @p2 s4;
	p2 =	sgt.s32 s19, $0x7FF  }
0x28: {  	s19 =	smov.u32 @p2 s1;
	p2 =	sne.s32 s14, s8  }
.Ltmp1:
0x29: {  	p0 =	por !p0, !p0;
	s18 =	simm.s32 @!p1 $0x2;
	(pc) =	sbr.rel @!p2 .LBB1_6-.Ltmp1, $4  }
0x2a: {  	s16 =	smov.u32 s10;
	s10 =	smov.u32 s12;
	s15 =	sand.u32 @!p1 $0x3FFFFFFF, s15  }
0x2b: {  	s12 =	smov.u32 s17;
	_ =	swait.ge @!p1 [sflag:s18], s15;
	s20 =	ssub.s32 @!p1 $0x0, s15  }
0x2c: {  	s15 =	smov.u32 s11;
	s14 =	sadd.s32 $0x1, s14;
	[sflag:s18] =	ssyncset.done @!p1 $0x0  }
0x2d: {  	s11 =	smov.u32 s13;
	s13 =	smov.u32 s19;
	[sflag:s18] =	ssyncadd.s32 @!p1 s20  }
.LBB1_1:
0x2e: {  	p1 =	sge.u32 s14, s6  }
0x2f: {  	s17 =	sshrl.u32 @!p1 s13, $0x3  }
0x30: {  	s18 =	sshll.u32 @!p1 s12, $0x3;
	s17 =	smul.u32 @!p1 $0x62400, s17  }
0x31: {  	s19 =	sshll.u32 @!p1 s13, $0x7;
	s18 =	sand.u32 @!p1 $0xFFFFFC00, s18  }
0x32: {  	s17 =	sadd.s32 @!p1 s17, s18;
	s18 =	sand.u32 @!p1 $0x380, s19  }
0x33: {  	s19 =	sand.u32 @!p1 $0x7F, s12;
	s17 =	sor.u32 @!p1 s18, s17  }
0x34: {  	s18 =	sor.u32 @!p1 s19, s17  }
0x35: {  	s19 =	smulhi.u32 @!p1 $0xA6C21DF7, s18;
	_ =	sdelay $0x1  }
0x36: {  	s17 =	smulhi.u32 @!p1 $0xA6C21DF7, s17;
	s19 =	sshrl.u32 @!p1 s19, $0xF  }
0x37: {  	s19 =	smul.u32 @!p1 $0xC480, s19  }
0x38: {  	s31 =	sadd.s32 $0xFFFFFFFF, s14;
	s20 =	sxor.u32 @!p1 $0xFFFFFFFF, s14;
	s17 =	sshrl.u32 @!p1 s17, $0xF  }
0x39: {  	s20 =	sshll.u32 @!p1 s20, $0xE;
	s17 =	sand.u32 @!p1 $0x7FF, s17;
	s18 =	ssub.s32 @!p1 s18, s19  }
0x3a: {  	s17 =	smul.u32 @!p1 $0x1890, s17;
	s19 =	sshrl.u32 @!p1 s18, $0x3;
	s18 =	sand.u32 @!p1 $0x7, s18  }
0x3b: {  	s20 =	sand.u32 @!p1 $0x4000, s20;
	s19 =	sadd.s32 @!p1 s7, s19;
	s18 =	sshll.u32 @!p1 s18, $0x12  }
0x3c: {  	s17 =	sadd.s32 @!p1 s17, s19;
	s18 =	sor.u32 @!p1 $0x400, s18;
	s19 =	simm.s32 @!p1 $0x62400  }
0x3d: {  	[tilespmem:s20], [sflag:$0x1] =	stream.strided.gather @!p1 [hbm4b:s17+s18], $0x4000, s19, s18, $0x38;
	[tilespmem:$0x10100] =	vst v63  }
0x3e: {  	p1 =	sge.u32 s31, s6  }
.Ltmp2:
0x3f: {  	_ = 	snop;
	(pc) =	sbr.rel @p1 .LBB1_5-.Ltmp2, $1  }
0x40: {  	_ =	sdelay $0x3  }
0x41: {  	s17 =	simm.s32 $0x1  }
0x42: {  	_ =	swait.ge [sflag:s5], $0x4000;
	s17 =	simm.s32 @!p0 $0x0  }
0x43: {  	[sflag:s5] =	ssyncset.done $0x0;
	s18 =	sshll.u32 s17, $0xE  }
0x44: {  	[sflag:s5] =	ssyncadd.s32 $0xFFFFC000;
	s18 =	sor.u32 $0x40, s18  }
0x45: {  	s17 =	smul.u32 $0x10200, s17;
	v0 =	vld [tilespmem:s18+$0x30]  }
0x46: {  	v1 =	vld [tilespmem:s18+$0xFFFFFFD0]  }
0x47: {  	s17 =	sshrl.u32 s17, $0x2;
	v5 =	vld [tilespmem:s18+$0xFFFFFFE0]  }
0x48: {  	v6 =	vld [tilespmem:s18+$0xFFFFFFF0];
	s19 =	sor.u32 $0x8000, s17  }
0x49: {  	s31 =	sand.u32 $0x1, s14;
	v3 =	vld [tilespmem:s18+$0x0];
	s20 =	sadd.s32 $0x0, s19  }
0x4a: {  	v4 =	vld [tilespmem:s18+$0x10];
	s17 =	smul.u32 $0x10200, s31;
	[tilespmem:s20+$0x3870 ss:$0x81] =	vst.msk $0xffff, v0  }
0x4b: {  	v2 =	vld [tilespmem:s18+$0x20];
	[tilespmem:s20+$0x810 ss:$0x81] =	vst.msk $0xffff, v1  }
0x4c: {  	s17 =	sshrl.u32 s17, $0x2;
	v1 =	vld [tilespmem:s18+$0xFFFFFFC0];
	[tilespmem:s20+$0x1020 ss:$0x81] =	vst.msk $0xffff, v5;
	s18 =	sadd.s32 $0x80, s18  }
0x4d: {  	s21 =	simm.s32 $0x4;
	s22 =	simm.s32 $0x8;
	s17 =	sor.u32 $0x8000, s17;
	[tilespmem:s20+$0x1830 ss:$0x81] =	vst.msk $0xffff, v6;
	v0 =	vld [tilespmem:s18+$0x30]  }
.LBB1_3:
0x4e: {  	p1 =	sne.s32 s22, $0x1FC;
	v5 =	vld [tilespmem:s18+$0xFFFFFFD0];
	[tilespmem:s20+$0x2040 ss:$0x81] =	vst.msk $0xffff, v3  }
0x4f: {  	v6 =	vld [tilespmem:s18+$0xFFFFFFE0];
	[tilespmem:s20+$0x2850 ss:$0x81] =	vst.msk $0xffff, v4  }
0x50: {  	s23 =	sshra.s32 s21, $0x2;
	s21 =	smov.u32 s22;
	v7 =	vld [tilespmem:s18+$0xFFFFFFF0];
	[tilespmem:s20+$0x3060 ss:$0x81] =	vst.msk $0xffff, v2  }
.Ltmp3:
0x51: {  	v3 =	vld [tilespmem:s18+$0x0];
	[tilespmem:s20+$0x0 ss:$0x81] =	vst.msk $0xffff, v1;
	s20 =	sadd.s32 s23, s19;
	(pc) =	sbr.rel @p1 .LBB1_3-.Ltmp3, $4  }
0x52: {  	v4 =	vld [tilespmem:s18+$0x10];
	[tilespmem:s20+$0x3870 ss:$0x81] =	vst.msk $0xffff, v0  }
0x53: {  	[tilespmem:s20+$0x810 ss:$0x81] =	vst.msk $0xffff, v5;
	v2 =	vld [tilespmem:s18+$0x20]  }
0x54: {  	v1 =	vld [tilespmem:s18+$0xFFFFFFC0];
	[tilespmem:s20+$0x1020 ss:$0x81] =	vst.msk $0xffff, v6;
	s18 =	sadd.s32 $0x80, s18  }
0x55: {  	s22 =	sadd.s32 $0x4, s22;
	v0 =	vld [tilespmem:s18+$0x30];
	[tilespmem:s20+$0x1830 ss:$0x81] =	vst.msk $0xffff, v7  }
.Ltmp4:
0x56: {  	_ = 	snop;
	(pc) =	sbr.rel .LBB1_4-.Ltmp4, $1  }
0x57: {  	_ =	sdelay $0x3  }
.LBB1_6:
0x58: {  	_ =	sfence.sel $0x180000  }
0x59: {  	s1 =	simm.s32 $0x1;
	[bflag:$0x0] =	sbarrier.arrive $0xFFFF  }
0x5a: {  	s31 =	simm.s32 $0x2;
	[sflag:s1] =	ssyncpa.u1 $0x1  }
0x5b: {  	[sflag:s31] =	ssyncpa.u1 $0x1  }
0x5c: {  	p0 =	sne.s32 s0, $0x0;
	_ =	strace $0x9000004A  }
0x5d: {  	s0 =	sadd.s32 @!p0 $0x100000, s2;
	[bflag:$0x2] =	sbarrier.arrive $0xFFFF  }
0x5e: {  	[sflag:s0] =	ssyncadd.tile.s32 @!p0 $0x1;
	_ =	shalt  }
.Lfunc_end1:
_tile_overlayer_lowered:
.L_overlay_start_2:
0x5f: {  	(tag) =	ssettag $0x2  }
0x60: {  	s0 =	rddreg [dreg:$0x0];
	s2 =	stileid.u32  }
0x61: {  	s1 =	rddreg [dreg:$0x1];
	p0 =	sne.s32 s2, $0x0  }
0x62: {  	s3 =	rddreg [dreg:$0x2];
	[bflag:$0x3] =	sbarrier.arrive $0xFFFF;
	s2 =	simm.s32 @!p0 $0x1C01  }
0x63: {  	[timem:s3], [sflag:s2] =	dma.local @!p0 [hbm:s0], s1  }
0x64: {  	s0 =	simm.s32 @!p0 $0x1  }
0x65: {  	_ =	swait.ge @!p0 [sflag:s0], s1  }
0x66: {  	s1 =	ssub.s32 @!p0 $0x0, s1;
	[sflag:s0] =	ssyncset.done @!p0 $0x0  }
0x67: {  	[sflag:s0] =	ssyncadd.s32 @!p0 s1  }
0x68: {  	[bflag:$0x3] =	sbarrier.arrive $0xFFFF  }
0x69: {  	_ =	shalt  }

</sc_bundles>
